<compile_context>
chip_gen: v7x
topology: tpu7x:2x2x1
jax: 0.10.2.dev20260603
libtpu: 0.0.44.dev20260713+nightly
codegen_flags: <defaults>
</compile_context>

<pallas_src>
import functools

import jax
import jax.numpy as jnp
from jax import lax
from jax.experimental import pallas as pl
from jax.experimental.pallas import tpu as pltpu
import jax.experimental.pallas.tpu_sc as plsc

NUM_CLASSES_ = 100001
B_ = 1024
L_ = 50

NUM_WORKERS = 32
IDX_TOTAL = B_ * L_
IDX_PER_W = IDX_TOTAL // NUM_WORKERS


def _sc_probe_kernel(labels_hbm, out_hbm, lab_v, out_v):
    wid = lax.axis_index("s") * 2 + lax.axis_index("c")
    base = wid * IDX_PER_W
    pltpu.sync_copy(labels_hbm.at[pl.ds(base, IDX_PER_W)], lab_v)
    for t in range(IDX_PER_W // 16):
        out_v[pl.ds(t * 16, 16)] = lab_v[pl.ds(t * 16, 16)].astype(jnp.float32)
    pltpu.sync_copy(out_v, out_hbm.at[pl.ds(base, IDX_PER_W)])


@functools.cache
def _sc_probe():
    return pl.kernel(
        _sc_probe_kernel,
        out_type=jax.ShapeDtypeStruct((IDX_TOTAL,), jnp.float32),
        mesh=plsc.VectorSubcoreMesh(core_axis_name="c", subcore_axis_name="s"),
        scratch_types=[
            pltpu.VMEM((IDX_PER_W,), jnp.int32),
            pltpu.VMEM((IDX_PER_W,), jnp.float32),
        ],
    )


def kernel(predictions, labels):
    labels = labels.astype(jnp.int32)
    labels_flat = labels.reshape(IDX_TOTAL)
    out = _sc_probe()(labels_flat)
    return jnp.sum(out.reshape(B_, L_), axis=1)

# --- scband reference (transcript-rebuilt; emitter-appended) ---
"""Pipeline reference for scband-custom-model-88545045774648 (READ-ONLY COPY).

The authoritative reference and input builder live on the scoring server;
editing this copy changes nothing except your own understanding.
"""

import jax, jax.numpy as jnp
import numpy as np

NUM_CLASSES = 100001
ALPHA = 0.25
GAMMA = 2.0
EPS = 1e-7

def setup_inputs(seed: int = 0) -> dict:
    key = jax.random.key(seed)
    k1, k2 = jax.random.split(key)
    predictions = jax.random.uniform(k1, (1024, NUM_CLASSES), dtype=jnp.float32)
    labels = jax.random.randint(k2, (1024, 50), 0, NUM_CLASSES, dtype=jnp.int64)
    return {"predictions": predictions, "labels": labels}

def reference(predictions, labels):
    # CategoryEncoding(output_mode='binary'): multi-hot scatter of label indices.
    # Label value 0 is ragged padding (RaggedTensor.from_tensor(labels, padding=0)) -> masked out.
    B, L = labels.shape
    V = NUM_CLASSES
    mask = (labels > 0).astype(jnp.float32)
    rows = jnp.broadcast_to(jnp.arange(B)[:, None], (B, L))
    y = jnp.zeros((B, V), dtype=jnp.float32).at[rows, labels].max(mask)
    # SigmoidFocalCrossEntropy(alpha=0.25, gamma=2.0, reduction=NONE), from_logits=False
    p = jnp.clip(predictions, EPS, 1.0 - EPS)
    ce = -(y * jnp.log(p) + (1.0 - y) * jnp.log(1.0 - p))
    p_t = y * p + (1.0 - y) * (1.0 - p)
    alpha_t = y * ALPHA + (1.0 - y) * (1.0 - ALPHA)
    loss = jnp.sum(alpha_t * jnp.power(1.0 - p_t, GAMMA) * ce, axis=-1)
    return loss

if __name__ == "__main__":
    import jax
    _d = setup_inputs()
    print(jax.jit(kernel)(*tuple(_d.values())))

</pallas_src>

<mosaic_0001>
#map = affine_map<(d0, d1) -> (0)>
module attributes {stable_mosaic.version = 14 : i64} {
  func.func @_sc_probe_kernel(%arg0: i32, %arg1: i32, %arg2: memref<51200xi32, #tpu.memory_space<hbm>>, %arg3: memref<51200xf32, #tpu.memory_space<hbm>>, %arg4: memref<1600xi32, #tpu.memory_space<vmem>>, %arg5: memref<1600xf32, #tpu.memory_space<vmem>>) attributes {dimension_semantics = [#tpu.dimension_semantics<core_parallel>, #tpu.dimension_semantics<subcore_parallel>], iteration_bounds = array<i64: 2, 16>, scalar_prefetch = 0 : i64, scratch_operands = 2 : i64, tpu.core_type = #tpu.core_type<sc_vector_subcore>, window_params = [{transform_indices = #map}, {transform_indices = #map}]} {
    %mul3A = arith.constant 2 : i32
    %mul3A_0 = arith.muli %arg1, %mul3A : i32
    %add3A = arith.addi %mul3A_0, %arg0 : i32
    %mul3A_1 = arith.constant 1600 : i32
    %mul3A_2 = arith.muli %add3A, %mul3A_1 : i32
    "tpu.region"() ({
      %run_scoped3A = tpu.sem_alloc : memref<!tpu.dma_semaphore, #tpu.memory_space<semaphore_mem>>
      %dma_start3A = tpu.memref_slice %arg2[%mul3A_2] : memref<51200xi32, #tpu.memory_space<hbm>> -> memref<1600xi32, #tpu.memory_space<hbm>>
      %dma_start3A_800 = tpu.memref_slice %arg2[%mul3A_2] : memref<51200xi32, #tpu.memory_space<hbm>> -> memref<1600xi32, #tpu.memory_space<hbm>>
      tpu.enqueue_dma source(%dma_start3A_800 : memref<1600xi32, #tpu.memory_space<hbm>>) target(%arg4 : memref<1600xi32, #tpu.memory_space<vmem>>) target_semaphore(%run_scoped3A : memref<!tpu.dma_semaphore, #tpu.memory_space<semaphore_mem>>)
      %dma_wait3A = tpu.memref_slice %arg2[%mul3A_2] : memref<51200xi32, #tpu.memory_space<hbm>> -> memref<1600xi32, #tpu.memory_space<hbm>>
      %dma_wait3A_801 = tpu.memref_slice %arg2[%mul3A_2] : memref<51200xi32, #tpu.memory_space<hbm>> -> memref<1600xi32, #tpu.memory_space<hbm>>
      tpu.wait_dma2 semaphore(%run_scoped3A : memref<!tpu.dma_semaphore, #tpu.memory_space<semaphore_mem>>) src(%dma_wait3A_801 : memref<1600xi32, #tpu.memory_space<hbm>>) dst(%arg4 : memref<1600xi32, #tpu.memory_space<vmem>>)
      tpu.yield
    }) : () -> ()
    %get3A = arith.constant 0 : index
    %get3A_3 = tpu.vector_load %arg4[%get3A] {strides = array<i32>} : memref<1600xi32, #tpu.memory_space<vmem>>, vector<16xi32>,
    %get3A_4 = vector.shape_cast %get3A_3 : vector<16xi32> to vector<16xi32>
    %convert_element_type3A = arith.sitofp %get3A_4 : vector<16xi32> to vector<16xf32>
    %swap3A = arith.constant 0 : index
    %swap3A_5 = tpu.vector_load %arg5[%swap3A] {strides = array<i32>} : memref<1600xf32, #tpu.memory_space<vmem>>, vector<16xf32>,
    %swap3A_6 = vector.shape_cast %swap3A_5 : vector<16xf32> to vector<16xf32>
    %swap3A_7 = vector.shape_cast %convert_element_type3A : vector<16xf32> to vector<16xf32>
    tpu.vector_store %arg5[%swap3A], %swap3A_7 {strides = array<i32>} : memref<1600xf32, #tpu.memory_space<vmem>>, vector<16xf32>,
    %get3A_8 = arith.constant 16 : index
    %get3A_9 = tpu.vector_load %arg4[%get3A_8] {strides = array<i32>} : memref<1600xi32, #tpu.memory_space<vmem>>, vector<16xi32>,
    %get3A_10 = vector.shape_cast %get3A_9 : vector<16xi32> to vector<16xi32>
    %convert_element_type3A_11 = arith.sitofp %get3A_10 : vector<16xi32> to vector<16xf32>
    %swap3A_12 = arith.constant 16 : index
    %swap3A_13 = tpu.vector_load %arg5[%swap3A_12] {strides = array<i32>} : memref<1600xf32, #tpu.memory_space<vmem>>, vector<16xf32>,
    %swap3A_14 = vector.shape_cast %swap3A_13 : vector<16xf32> to vector<16xf32>
    %swap3A_15 = vector.shape_cast %convert_element_type3A_11 : vector<16xf32> to vector<16xf32>
    tpu.vector_store %arg5[%swap3A_12], %swap3A_15 {strides = array<i32>} : memref<1600xf32, #tpu.memory_space<vmem>>, vector<16xf32>,
    %get3A_16 = arith.constant 32 : index
    %get3A_17 = tpu.vector_load %arg4[%get3A_16] {strides = array<i32>} : memref<1600xi32, #tpu.memory_space<vmem>>, vector<16xi32>,
    %get3A_18 = vector.shape_cast %get3A_17 : vector<16xi32> to vector<16xi32>
    %convert_element_type3A_19 = arith.sitofp %get3A_18 : vector<16xi32> to vector<16xf32>
    %swap3A_20 = arith.constant 32 : index
    %swap3A_21 = tpu.vector_load %arg5[%swap3A_20] {strides = array<i32>} : memref<1600xf32, #tpu.memory_space<vmem>>, vector<16xf32>,
    %swap3A_22 = vector.shape_cast %swap3A_21 : vector<16xf32> to vector<16xf32>
    %swap3A_23 = vector.shape_cast %convert_element_type3A_19 : vector<16xf32> to vector<16xf32>
    tpu.vector_store %arg5[%swap3A_20], %swap3A_23 {strides = array<i32>} : memref<1600xf32, #tpu.memory_space<vmem>>, vector<16xf32>,
    %get3A_24 = arith.constant 48 : index
    %get3A_25 = tpu.vector_load %arg4[%get3A_24] {strides = array<i32>} : memref<1600xi32, #tpu.memory_space<vmem>>, vector<16xi32>,
    %get3A_26 = vector.shape_cast %get3A_25 : vector<16xi32> to vector<16xi32>
    %convert_element_type3A_27 = arith.sitofp %get3A_26 : vector<16xi32> to vector<16xf32>
    %swap3A_28 = arith.constant 48 : index
    %swap3A_29 = tpu.vector_load %arg5[%swap3A_28] {strides = array<i32>} : memref<1600xf32, #tpu.memory_space<vmem>>, vector<16xf32>,
    %swap3A_30 = vector.shape_cast %swap3A_29 : vector<16xf32> to vector<16xf32>
    %swap3A_31 = vector.shape_cast %convert_element_type3A_27 : vector<16xf32> to vector<16xf32>
    tpu.vector_store %arg5[%swap3A_28], %swap3A_31 {strides = array<i32>} : memref<1600xf32, #tpu.memory_space<vmem>>, vector<16xf32>,
    %get3A_32 = arith.constant 64 : index
    %get3A_33 = tpu.vector_load %arg4[%get3A_32] {strides = array<i32>} : memref<1600xi32, #tpu.memory_space<vmem>>, vector<16xi32>,
    %get3A_34 = vector.shape_cast %get3A_33 : vector<16xi32> to vector<16xi32>
    %convert_element_type3A_35 = arith.sitofp %get3A_34 : vector<16xi32> to vector<16xf32>
    %swap3A_36 = arith.constant 64 : index
    %swap3A_37 = tpu.vector_load %arg5[%swap3A_36] {strides = array<i32>} : memref<1600xf32, #tpu.memory_space<vmem>>, vector<16xf32>,
    %swap3A_38 = vector.shape_cast %swap3A_37 : vector<16xf32> to vector<16xf32>
    %swap3A_39 = vector.shape_cast %convert_element_type3A_35 : vector<16xf32> to vector<16xf32>
    tpu.vector_store %arg5[%swap3A_36], %swap3A_39 {strides = array<i32>} : memref<1600xf32, #tpu.memory_space<vmem>>, vector<16xf32>,
    %get3A_40 = arith.constant 80 : index
    %get3A_41 = tpu.vector_load %arg4[%get3A_40] {strides = array<i32>} : memref<1600xi32, #tpu.memory_space<vmem>>, vector<16xi32>,
    %get3A_42 = vector.shape_cast %get3A_41 : vector<16xi32> to vector<16xi32>
    %convert_element_type3A_43 = arith.sitofp %get3A_42 : vector<16xi32> to vector<16xf32>
    %swap3A_44 = arith.constant 80 : index
    %swap3A_45 = tpu.vector_load %arg5[%swap3A_44] {strides = array<i32>} : memref<1600xf32, #tpu.memory_space<vmem>>, vector<16xf32>,
    %swap3A_46 = vector.shape_cast %swap3A_45 : vector<16xf32> to vector<16xf32>
    %swap3A_47 = vector.shape_cast %convert_element_type3A_43 : vector<16xf32> to vector<16xf32>
    tpu.vector_store %arg5[%swap3A_44], %swap3A_47 {strides = array<i32>} : memref<1600xf32, #tpu.memory_space<vmem>>, vector<16xf32>,
    %get3A_48 = arith.constant 96 : index
    %get3A_49 = tpu.vector_load %arg4[%get3A_48] {strides = array<i32>} : memref<1600xi32, #tpu.memory_space<vmem>>, vector<16xi32>,
    %get3A_50 = vector.shape_cast %get3A_49 : vector<16xi32> to vector<16xi32>
    %convert_element_type3A_51 = arith.sitofp %get3A_50 : vector<16xi32> to vector<16xf32>
    %swap3A_52 = arith.constant 96 : index
    %swap3A_53 = tpu.vector_load %arg5[%swap3A_52] {strides = array<i32>} : memref<1600xf32, #tpu.memory_space<vmem>>, vector<16xf32>,
    %swap3A_54 = vector.shape_cast %swap3A_53 : vector<16xf32> to vector<16xf32>
    %swap3A_55 = vector.shape_cast %convert_element_type3A_51 : vector<16xf32> to vector<16xf32>
    tpu.vector_store %arg5[%swap3A_52], %swap3A_55 {strides = array<i32>} : memref<1600xf32, #tpu.memory_space<vmem>>, vector<16xf32>,
    %get3A_56 = arith.constant 112 : index
    %get3A_57 = tpu.vector_load %arg4[%get3A_56] {strides = array<i32>} : memref<1600xi32, #tpu.memory_space<vmem>>, vector<16xi32>,
    %get3A_58 = vector.shape_cast %get3A_57 : vector<16xi32> to vector<16xi32>
    %convert_element_type3A_59 = arith.sitofp %get3A_58 : vector<16xi32> to vector<16xf32>
    %swap3A_60 = arith.constant 112 : index
    %swap3A_61 = tpu.vector_load %arg5[%swap3A_60] {strides = array<i32>} : memref<1600xf32, #tpu.memory_space<vmem>>, vector<16xf32>,
    %swap3A_62 = vector.shape_cast %swap3A_61 : vector<16xf32> to vector<16xf32>
    %swap3A_63 = vector.shape_cast %convert_element_type3A_59 : vector<16xf32> to vector<16xf32>
    tpu.vector_store %arg5[%swap3A_60], %swap3A_63 {strides = array<i32>} : memref<1600xf32, #tpu.memory_space<vmem>>, vector<16xf32>,
    %get3A_64 = arith.constant 128 : index
    %get3A_65 = tpu.vector_load %arg4[%get3A_64] {strides = array<i32>} : memref<1600xi32, #tpu.memory_space<vmem>>, vector<16xi32>,
    %get3A_66 = vector.shape_cast %get3A_65 : vector<16xi32> to vector<16xi32>
    %convert_element_type3A_67 = arith.sitofp %get3A_66 : vector<16xi32> to vector<16xf32>
    %swap3A_68 = arith.constant 128 : index
    %swap3A_69 = tpu.vector_load %arg5[%swap3A_68] {strides = array<i32>} : memref<1600xf32, #tpu.memory_space<vmem>>, vector<16xf32>,
    %swap3A_70 = vector.shape_cast %swap3A_69 : vector<16xf32> to vector<16xf32>
    %swap3A_71 = vector.shape_cast %convert_element_type3A_67 : vector<16xf32> to vector<16xf32>
    tpu.vector_store %arg5[%swap3A_68], %swap3A_71 {strides = array<i32>} : memref<1600xf32, #tpu.memory_space<vmem>>, vector<16xf32>,
    %get3A_72 = arith.constant 144 : index
    %get3A_73 = tpu.vector_load %arg4[%get3A_72] {strides = array<i32>} : memref<1600xi32, #tpu.memory_space<vmem>>, vector<16xi32>,
    %get3A_74 = vector.shape_cast %get3A_73 : vector<16xi32> to vector<16xi32>
    %convert_element_type3A_75 = arith.sitofp %get3A_74 : vector<16xi32> to vector<16xf32>
    %swap3A_76 = arith.constant 144 : index
    %swap3A_77 = tpu.vector_load %arg5[%swap3A_76] {strides = array<i32>} : memref<1600xf32, #tpu.memory_space<vmem>>, vector<16xf32>,
    %swap3A_78 = vector.shape_cast %swap3A_77 : vector<16xf32> to vector<16xf32>
    %swap3A_79 = vector.shape_cast %convert_element_type3A_75 : vector<16xf32> to vector<16xf32>
    tpu.vector_store %arg5[%swap3A_76], %swap3A_79 {strides = array<i32>} : memref<1600xf32, #tpu.memory_space<vmem>>, vector<16xf32>,
    %get3A_80 = arith.constant 160 : index
    %get3A_81 = tpu.vector_load %arg4[%get3A_80] {strides = array<i32>} : memref<1600xi32, #tpu.memory_space<vmem>>, vector<16xi32>,
    %get3A_82 = vector.shape_cast %get3A_81 : vector<16xi32> to vector<16xi32>
    %convert_element_type3A_83 = arith.sitofp %get3A_82 : vector<16xi32> to vector<16xf32>
    %swap3A_84 = arith.constant 160 : index
    %swap3A_85 = tpu.vector_load %arg5[%swap3A_84] {strides = array<i32>} : memref<1600xf32, #tpu.memory_space<vmem>>, vector<16xf32>,
    %swap3A_86 = vector.shape_cast %swap3A_85 : vector<16xf32> to vector<16xf32>
    %swap3A_87 = vector.shape_cast %convert_element_type3A_83 : vector<16xf32> to vector<16xf32>
    tpu.vector_store %arg5[%swap3A_84], %swap3A_87 {strides = array<i32>} : memref<1600xf32, #tpu.memory_space<vmem>>, vector<16xf32>,
    %get3A_88 = arith.constant 176 : index
    %get3A_89 = tpu.vector_load %arg4[%get3A_88] {strides = array<i32>} : memref<1600xi32, #tpu.memory_space<vmem>>, vector<16xi32>,
    %get3A_90 = vector.shape_cast %get3A_89 : vector<16xi32> to vector<16xi32>
    %convert_element_type3A_91 = arith.sitofp %get3A_90 : vector<16xi32> to vector<16xf32>
    %swap3A_92 = arith.constant 176 : index
    %swap3A_93 = tpu.vector_load %arg5[%swap3A_92] {strides = array<i32>} : memref<1600xf32, #tpu.memory_space<vmem>>, vector<16xf32>,
    %swap3A_94 = vector.shape_cast %swap3A_93 : vector<16xf32> to vector<16xf32>
    %swap3A_95 = vector.shape_cast %convert_element_type3A_91 : vector<16xf32> to vector<16xf32>
    tpu.vector_store %arg5[%swap3A_92], %swap3A_95 {strides = array<i32>} : memref<1600xf32, #tpu.memory_space<vmem>>, vector<16xf32>,
    %get3A_96 = arith.constant 192 : index
    %get3A_97 = tpu.vector_load %arg4[%get3A_96] {strides = array<i32>} : memref<1600xi32, #tpu.memory_space<vmem>>, vector<16xi32>,
    %get3A_98 = vector.shape_cast %get3A_97 : vector<16xi32> to vector<16xi32>
    %convert_element_type3A_99 = arith.sitofp %get3A_98 : vector<16xi32> to vector<16xf32>
    %swap3A_100 = arith.constant 192 : index
    %swap3A_101 = tpu.vector_load %arg5[%swap3A_100] {strides = array<i32>} : memref<1600xf32, #tpu.memory_space<vmem>>, vector<16xf32>,
    %swap3A_102 = vector.shape_cast %swap3A_101 : vector<16xf32> to vector<16xf32>
    %swap3A_103 = vector.shape_cast %convert_element_type3A_99 : vector<16xf32> to vector<16xf32>
    tpu.vector_store %arg5[%swap3A_100], %swap3A_103 {strides = array<i32>} : memref<1600xf32, #tpu.memory_space<vmem>>, vector<16xf32>,
    %get3A_104 = arith.constant 208 : index
    %get3A_105 = tpu.vector_load %arg4[%get3A_104] {strides = array<i32>} : memref<1600xi32, #tpu.memory_space<vmem>>, vector<16xi32>,
    %get3A_106 = vector.shape_cast %get3A_105 : vector<16xi32> to vector<16xi32>
    %convert_element_type3A_107 = arith.sitofp %get3A_106 : vector<16xi32> to vector<16xf32>
    %swap3A_108 = arith.constant 208 : index
    %swap3A_109 = tpu.vector_load %arg5[%swap3A_108] {strides = array<i32>} : memref<1600xf32, #tpu.memory_space<vmem>>, vector<16xf32>,
    %swap3A_110 = vector.shape_cast %swap3A_109 : vector<16xf32> to vector<16xf32>
    %swap3A_111 = vector.shape_cast %convert_element_type3A_107 : vector<16xf32> to vector<16xf32>
    tpu.vector_store %arg5[%swap3A_108], %swap3A_111 {strides = array<i32>} : memref<1600xf32, #tpu.memory_space<vmem>>, vector<16xf32>,
    %get3A_112 = arith.constant 224 : index
    %get3A_113 = tpu.vector_load %arg4[%get3A_112] {strides = array<i32>} : memref<1600xi32, #tpu.memory_space<vmem>>, vector<16xi32>,
    %get3A_114 = vector.shape_cast %get3A_113 : vector<16xi32> to vector<16xi32>
    %convert_element_type3A_115 = arith.sitofp %get3A_114 : vector<16xi32> to vector<16xf32>
    %swap3A_116 = arith.constant 224 : index
    %swap3A_117 = tpu.vector_load %arg5[%swap3A_116] {strides = array<i32>} : memref<1600xf32, #tpu.memory_space<vmem>>, vector<16xf32>,
    %swap3A_118 = vector.shape_cast %swap3A_117 : vector<16xf32> to vector<16xf32>
    %swap3A_119 = vector.shape_cast %convert_element_type3A_115 : vector<16xf32> to vector<16xf32>
    tpu.vector_store %arg5[%swap3A_116], %swap3A_119 {strides = array<i32>} : memref<1600xf32, #tpu.memory_space<vmem>>, vector<16xf32>,
    %get3A_120 = arith.constant 240 : index
    %get3A_121 = tpu.vector_load %arg4[%get3A_120] {strides = array<i32>} : memref<1600xi32, #tpu.memory_space<vmem>>, vector<16xi32>,
    %get3A_122 = vector.shape_cast %get3A_121 : vector<16xi32> to vector<16xi32>
    %convert_element_type3A_123 = arith.sitofp %get3A_122 : vector<16xi32> to vector<16xf32>
    %swap3A_124 = arith.constant 240 : index
    %swap3A_125 = tpu.vector_load %arg5[%swap3A_124] {strides = array<i32>} : memref<1600xf32, #tpu.memory_space<vmem>>, vector<16xf32>,
    %swap3A_126 = vector.shape_cast %swap3A_125 : vector<16xf32> to vector<16xf32>
    %swap3A_127 = vector.shape_cast %convert_element_type3A_123 : vector<16xf32> to vector<16xf32>
    tpu.vector_store %arg5[%swap3A_124], %swap3A_127 {strides = array<i32>} : memref<1600xf32, #tpu.memory_space<vmem>>, vector<16xf32>,
    %get3A_128 = arith.constant 256 : index
    %get3A_129 = tpu.vector_load %arg4[%get3A_128] {strides = array<i32>} : memref<1600xi32, #tpu.memory_space<vmem>>, vector<16xi32>,
    %get3A_130 = vector.shape_cast %get3A_129 : vector<16xi32> to vector<16xi32>
    %convert_element_type3A_131 = arith.sitofp %get3A_130 : vector<16xi32> to vector<16xf32>
    %swap3A_132 = arith.constant 256 : index
    %swap3A_133 = tpu.vector_load %arg5[%swap3A_132] {strides = array<i32>} : memref<1600xf32, #tpu.memory_space<vmem>>, vector<16xf32>,
    %swap3A_134 = vector.shape_cast %swap3A_133 : vector<16xf32> to vector<16xf32>
    %swap3A_135 = vector.shape_cast %convert_element_type3A_131 : vector<16xf32> to vector<16xf32>
    tpu.vector_store %arg5[%swap3A_132], %swap3A_135 {strides = array<i32>} : memref<1600xf32, #tpu.memory_space<vmem>>, vector<16xf32>,
    %get3A_136 = arith.constant 272 : index
    %get3A_137 = tpu.vector_load %arg4[%get3A_136] {strides = array<i32>} : memref<1600xi32, #tpu.memory_space<vmem>>, vector<16xi32>,
    %get3A_138 = vector.shape_cast %get3A_137 : vector<16xi32> to vector<16xi32>
    %convert_element_type3A_139 = arith.sitofp %get3A_138 : vector<16xi32> to vector<16xf32>
    %swap3A_140 = arith.constant 272 : index
    %swap3A_141 = tpu.vector_load %arg5[%swap3A_140] {strides = array<i32>} : memref<1600xf32, #tpu.memory_space<vmem>>, vector<16xf32>,
    %swap3A_142 = vector.shape_cast %swap3A_141 : vector<16xf32> to vector<16xf32>
    %swap3A_143 = vector.shape_cast %convert_element_type3A_139 : vector<16xf32> to vector<16xf32>
    tpu.vector_store %arg5[%swap3A_140], %swap3A_143 {strides = array<i32>} : memref<1600xf32, #tpu.memory_space<vmem>>, vector<16xf32>,
    %get3A_144 = arith.constant 288 : index
    %get3A_145 = tpu.vector_load %arg4[%get3A_144] {strides = array<i32>} : memref<1600xi32, #tpu.memory_space<vmem>>, vector<16xi32>,
    %get3A_146 = vector.shape_cast %get3A_145 : vector<16xi32> to vector<16xi32>
    %convert_element_type3A_147 = arith.sitofp %get3A_146 : vector<16xi32> to vector<16xf32>
    %swap3A_148 = arith.constant 288 : index
    %swap3A_149 = tpu.vector_load %arg5[%swap3A_148] {strides = array<i32>} : memref<1600xf32, #tpu.memory_space<vmem>>, vector<16xf32>,
    %swap3A_150 = vector.shape_cast %swap3A_149 : vector<16xf32> to vector<16xf32>
    %swap3A_151 = vector.shape_cast %convert_element_type3A_147 : vector<16xf32> to vector<16xf32>
    tpu.vector_store %arg5[%swap3A_148], %swap3A_151 {strides = array<i32>} : memref<1600xf32, #tpu.memory_space<vmem>>, vector<16xf32>,
    %get3A_152 = arith.constant 304 : index
    %get3A_153 = tpu.vector_load %arg4[%get3A_152] {strides = array<i32>} : memref<1600xi32, #tpu.memory_space<vmem>>, vector<16xi32>,
    %get3A_154 = vector.shape_cast %get3A_153 : vector<16xi32> to vector<16xi32>
    %convert_element_type3A_155 = arith.sitofp %get3A_154 : vector<16xi32> to vector<16xf32>
    %swap3A_156 = arith.constant 304 : index
    %swap3A_157 = tpu.vector_load %arg5[%swap3A_156] {strides = array<i32>} : memref<1600xf32, #tpu.memory_space<vmem>>, vector<16xf32>,
    %swap3A_158 = vector.shape_cast %swap3A_157 : vector<16xf32> to vector<16xf32>
    %swap3A_159 = vector.shape_cast %convert_element_type3A_155 : vector<16xf32> to vector<16xf32>
    tpu.vector_store %arg5[%swap3A_156], %swap3A_159 {strides = array<i32>} : memref<1600xf32, #tpu.memory_space<vmem>>, vector<16xf32>,
    %get3A_160 = arith.constant 320 : index
    %get3A_161 = tpu.vector_load %arg4[%get3A_160] {strides = array<i32>} : memref<1600xi32, #tpu.memory_space<vmem>>, vector<16xi32>,
    %get3A_162 = vector.shape_cast %get3A_161 : vector<16xi32> to vector<16xi32>
    %convert_element_type3A_163 = arith.sitofp %get3A_162 : vector<16xi32> to vector<16xf32>
    %swap3A_164 = arith.constant 320 : index
    %swap3A_165 = tpu.vector_load %arg5[%swap3A_164] {strides = array<i32>} : memref<1600xf32, #tpu.memory_space<vmem>>, vector<16xf32>,
    %swap3A_166 = vector.shape_cast %swap3A_165 : vector<16xf32> to vector<16xf32>
    %swap3A_167 = vector.shape_cast %convert_element_type3A_163 : vector<16xf32> to vector<16xf32>
    tpu.vector_store %arg5[%swap3A_164], %swap3A_167 {strides = array<i32>} : memref<1600xf32, #tpu.memory_space<vmem>>, vector<16xf32>,
    %get3A_168 = arith.constant 336 : index
    %get3A_169 = tpu.vector_load %arg4[%get3A_168] {strides = array<i32>} : memref<1600xi32, #tpu.memory_space<vmem>>, vector<16xi32>,
    %get3A_170 = vector.shape_cast %get3A_169 : vector<16xi32> to vector<16xi32>
    %convert_element_type3A_171 = arith.sitofp %get3A_170 : vector<16xi32> to vector<16xf32>
    %swap3A_172 = arith.constant 336 : index
    %swap3A_173 = tpu.vector_load %arg5[%swap3A_172] {strides = array<i32>} : memref<1600xf32, #tpu.memory_space<vmem>>, vector<16xf32>,
    %swap3A_174 = vector.shape_cast %swap3A_173 : vector<16xf32> to vector<16xf32>
    %swap3A_175 = vector.shape_cast %convert_element_type3A_171 : vector<16xf32> to vector<16xf32>
    tpu.vector_store %arg5[%swap3A_172], %swap3A_175 {strides = array<i32>} : memref<1600xf32, #tpu.memory_space<vmem>>, vector<16xf32>,
    %get3A_176 = arith.constant 352 : index
    %get3A_177 = tpu.vector_load %arg4[%get3A_176] {strides = array<i32>} : memref<1600xi32, #tpu.memory_space<vmem>>, vector<16xi32>,
    %get3A_178 = vector.shape_cast %get3A_177 : vector<16xi32> to vector<16xi32>
    %convert_element_type3A_179 = arith.sitofp %get3A_178 : vector<16xi32> to vector<16xf32>
    %swap3A_180 = arith.constant 352 : index
    %swap3A_181 = tpu.vector_load %arg5[%swap3A_180] {strides = array<i32>} : memref<1600xf32, #tpu.memory_space<vmem>>, vector<16xf32>,
    %swap3A_182 = vector.shape_cast %swap3A_181 : vector<16xf32> to vector<16xf32>
    %swap3A_183 = vector.shape_cast %convert_element_type3A_179 : vector<16xf32> to vector<16xf32>
    tpu.vector_store %arg5[%swap3A_180], %swap3A_183 {strides = array<i32>} : memref<1600xf32, #tpu.memory_space<vmem>>, vector<16xf32>,
    %get3A_184 = arith.constant 368 : index
    %get3A_185 = tpu.vector_load %arg4[%get3A_184] {strides = array<i32>} : memref<1600xi32, #tpu.memory_space<vmem>>, vector<16xi32>,
    %get3A_186 = vector.shape_cast %get3A_185 : vector<16xi32> to vector<16xi32>
    %convert_element_type3A_187 = arith.sitofp %get3A_186 : vector<16xi32> to vector<16xf32>
    %swap3A_188 = arith.constant 368 : index
    %swap3A_189 = tpu.vector_load %arg5[%swap3A_188] {strides = array<i32>} : memref<1600xf32, #tpu.memory_space<vmem>>, vector<16xf32>,
    %swap3A_190 = vector.shape_cast %swap3A_189 : vector<16xf32> to vector<16xf32>
    %swap3A_191 = vector.shape_cast %convert_element_type3A_187 : vector<16xf32> to vector<16xf32>
    tpu.vector_store %arg5[%swap3A_188], %swap3A_191 {strides = array<i32>} : memref<1600xf32, #tpu.memory_space<vmem>>, vector<16xf32>,
    %get3A_192 = arith.constant 384 : index
    %get3A_193 = tpu.vector_load %arg4[%get3A_192] {strides = array<i32>} : memref<1600xi32, #tpu.memory_space<vmem>>, vector<16xi32>,
    %get3A_194 = vector.shape_cast %get3A_193 : vector<16xi32> to vector<16xi32>
    %convert_element_type3A_195 = arith.sitofp %get3A_194 : vector<16xi32> to vector<16xf32>
    %swap3A_196 = arith.constant 384 : index
    %swap3A_197 = tpu.vector_load %arg5[%swap3A_196] {strides = array<i32>} : memref<1600xf32, #tpu.memory_space<vmem>>, vector<16xf32>,
    %swap3A_198 = vector.shape_cast %swap3A_197 : vector<16xf32> to vector<16xf32>
    %swap3A_199 = vector.shape_cast %convert_element_type3A_195 : vector<16xf32> to vector<16xf32>
    tpu.vector_store %arg5[%swap3A_196], %swap3A_199 {strides = array<i32>} : memref<1600xf32, #tpu.memory_space<vmem>>, vector<16xf32>,
    %get3A_200 = arith.constant 400 : index
    %get3A_201 = tpu.vector_load %arg4[%get3A_200] {strides = array<i32>} : memref<1600xi32, #tpu.memory_space<vmem>>, vector<16xi32>,
    %get3A_202 = vector.shape_cast %get3A_201 : vector<16xi32> to vector<16xi32>
    %convert_element_type3A_203 = arith.sitofp %get3A_202 : vector<16xi32> to vector<16xf32>
    %swap3A_204 = arith.constant 400 : index
    %swap3A_205 = tpu.vector_load %arg5[%swap3A_204] {strides = array<i32>} : memref<1600xf32, #tpu.memory_space<vmem>>, vector<16xf32>,
    %swap3A_206 = vector.shape_cast %swap3A_205 : vector<16xf32> to vector<16xf32>
    %swap3A_207 = vector.shape_cast %convert_element_type3A_203 : vector<16xf32> to vector<16xf32>
    tpu.vector_store %arg5[%swap3A_204], %swap3A_207 {strides = array<i32>} : memref<1600xf32, #tpu.memory_space<vmem>>, vector<16xf32>,
    %get3A_208 = arith.constant 416 : index
    %get3A_209 = tpu.vector_load %arg4[%get3A_208] {strides = array<i32>} : memref<1600xi32, #tpu.memory_space<vmem>>, vector<16xi32>,
    %get3A_210 = vector.shape_cast %get3A_209 : vector<16xi32> to vector<16xi32>
    %convert_element_type3A_211 = arith.sitofp %get3A_210 : vector<16xi32> to vector<16xf32>
    %swap3A_212 = arith.constant 416 : index
    %swap3A_213 = tpu.vector_load %arg5[%swap3A_212] {strides = array<i32>} : memref<1600xf32, #tpu.memory_space<vmem>>, vector<16xf32>,
    %swap3A_214 = vector.shape_cast %swap3A_213 : vector<16xf32> to vector<16xf32>
    %swap3A_215 = vector.shape_cast %convert_element_type3A_211 : vector<16xf32> to vector<16xf32>
    tpu.vector_store %arg5[%swap3A_212], %swap3A_215 {strides = array<i32>} : memref<1600xf32, #tpu.memory_space<vmem>>, vector<16xf32>,
    %get3A_216 = arith.constant 432 : index
    %get3A_217 = tpu.vector_load %arg4[%get3A_216] {strides = array<i32>} : memref<1600xi32, #tpu.memory_space<vmem>>, vector<16xi32>,
    %get3A_218 = vector.shape_cast %get3A_217 : vector<16xi32> to vector<16xi32>
    %convert_element_type3A_219 = arith.sitofp %get3A_218 : vector<16xi32> to vector<16xf32>
    %swap3A_220 = arith.constant 432 : index
    %swap3A_221 = tpu.vector_load %arg5[%swap3A_220] {strides = array<i32>} : memref<1600xf32, #tpu.memory_space<vmem>>, vector<16xf32>,
    %swap3A_222 = vector.shape_cast %swap3A_221 : vector<16xf32> to vector<16xf32>
    %swap3A_223 = vector.shape_cast %convert_element_type3A_219 : vector<16xf32> to vector<16xf32>
    tpu.vector_store %arg5[%swap3A_220], %swap3A_223 {strides = array<i32>} : memref<1600xf32, #tpu.memory_space<vmem>>, vector<16xf32>,
    %get3A_224 = arith.constant 448 : index
    %get3A_225 = tpu.vector_load %arg4[%get3A_224] {strides = array<i32>} : memref<1600xi32, #tpu.memory_space<vmem>>, vector<16xi32>,
    %get3A_226 = vector.shape_cast %get3A_225 : vector<16xi32> to vector<16xi32>
    %convert_element_type3A_227 = arith.sitofp %get3A_226 : vector<16xi32> to vector<16xf32>
    %swap3A_228 = arith.constant 448 : index
    %swap3A_229 = tpu.vector_load %arg5[%swap3A_228] {strides = array<i32>} : memref<1600xf32, #tpu.memory_space<vmem>>, vector<16xf32>,
    %swap3A_230 = vector.shape_cast %swap3A_229 : vector<16xf32> to vector<16xf32>
    %swap3A_231 = vector.shape_cast %convert_element_type3A_227 : vector<16xf32> to vector<16xf32>
    tpu.vector_store %arg5[%swap3A_228], %swap3A_231 {strides = array<i32>} : memref<1600xf32, #tpu.memory_space<vmem>>, vector<16xf32>,
    %get3A_232 = arith.constant 464 : index
    %get3A_233 = tpu.vector_load %arg4[%get3A_232] {strides = array<i32>} : memref<1600xi32, #tpu.memory_space<vmem>>, vector<16xi32>,
    %get3A_234 = vector.shape_cast %get3A_233 : vector<16xi32> to vector<16xi32>
    %convert_element_type3A_235 = arith.sitofp %get3A_234 : vector<16xi32> to vector<16xf32>
    %swap3A_236 = arith.constant 464 : index
    %swap3A_237 = tpu.vector_load %arg5[%swap3A_236] {strides = array<i32>} : memref<1600xf32, #tpu.memory_space<vmem>>, vector<16xf32>,
    %swap3A_238 = vector.shape_cast %swap3A_237 : vector<16xf32> to vector<16xf32>
    %swap3A_239 = vector.shape_cast %convert_element_type3A_235 : vector<16xf32> to vector<16xf32>
    tpu.vector_store %arg5[%swap3A_236], %swap3A_239 {strides = array<i32>} : memref<1600xf32, #tpu.memory_space<vmem>>, vector<16xf32>,
    %get3A_240 = arith.constant 480 : index
    %get3A_241 = tpu.vector_load %arg4[%get3A_240] {strides = array<i32>} : memref<1600xi32, #tpu.memory_space<vmem>>, vector<16xi32>,
    %get3A_242 = vector.shape_cast %get3A_241 : vector<16xi32> to vector<16xi32>
    %convert_element_type3A_243 = arith.sitofp %get3A_242 : vector<16xi32> to vector<16xf32>
    %swap3A_244 = arith.constant 480 : index
    %swap3A_245 = tpu.vector_load %arg5[%swap3A_244] {strides = array<i32>} : memref<1600xf32, #tpu.memory_space<vmem>>, vector<16xf32>,
    %swap3A_246 = vector.shape_cast %swap3A_245 : vector<16xf32> to vector<16xf32>
    %swap3A_247 = vector.shape_cast %convert_element_type3A_243 : vector<16xf32> to vector<16xf32>
    tpu.vector_store %arg5[%swap3A_244], %swap3A_247 {strides = array<i32>} : memref<1600xf32, #tpu.memory_space<vmem>>, vector<16xf32>,
    %get3A_248 = arith.constant 496 : index
    %get3A_249 = tpu.vector_load %arg4[%get3A_248] {strides = array<i32>} : memref<1600xi32, #tpu.memory_space<vmem>>, vector<16xi32>,
    %get3A_250 = vector.shape_cast %get3A_249 : vector<16xi32> to vector<16xi32>
    %convert_element_type3A_251 = arith.sitofp %get3A_250 : vector<16xi32> to vector<16xf32>
    %swap3A_252 = arith.constant 496 : index
    %swap3A_253 = tpu.vector_load %arg5[%swap3A_252] {strides = array<i32>} : memref<1600xf32, #tpu.memory_space<vmem>>, vector<16xf32>,
    %swap3A_254 = vector.shape_cast %swap3A_253 : vector<16xf32> to vector<16xf32>
    %swap3A_255 = vector.shape_cast %convert_element_type3A_251 : vector<16xf32> to vector<16xf32>
    tpu.vector_store %arg5[%swap3A_252], %swap3A_255 {strides = array<i32>} : memref<1600xf32, #tpu.memory_space<vmem>>, vector<16xf32>,
    %get3A_256 = arith.constant 512 : index
    %get3A_257 = tpu.vector_load %arg4[%get3A_256] {strides = array<i32>} : memref<1600xi32, #tpu.memory_space<vmem>>, vector<16xi32>,
    %get3A_258 = vector.shape_cast %get3A_257 : vector<16xi32> to vector<16xi32>
    %convert_element_type3A_259 = arith.sitofp %get3A_258 : vector<16xi32> to vector<16xf32>
    %swap3A_260 = arith.constant 512 : index
    %swap3A_261 = tpu.vector_load %arg5[%swap3A_260] {strides = array<i32>} : memref<1600xf32, #tpu.memory_space<vmem>>, vector<16xf32>,
    %swap3A_262 = vector.shape_cast %swap3A_261 : vector<16xf32> to vector<16xf32>
    %swap3A_263 = vector.shape_cast %convert_element_type3A_259 : vector<16xf32> to vector<16xf32>
    tpu.vector_store %arg5[%swap3A_260], %swap3A_263 {strides = array<i32>} : memref<1600xf32, #tpu.memory_space<vmem>>, vector<16xf32>,
    %get3A_264 = arith.constant 528 : index
    %get3A_265 = tpu.vector_load %arg4[%get3A_264] {strides = array<i32>} : memref<1600xi32, #tpu.memory_space<vmem>>, vector<16xi32>,
    %get3A_266 = vector.shape_cast %get3A_265 : vector<16xi32> to vector<16xi32>
    %convert_element_type3A_267 = arith.sitofp %get3A_266 : vector<16xi32> to vector<16xf32>
    %swap3A_268 = arith.constant 528 : index
    %swap3A_269 = tpu.vector_load %arg5[%swap3A_268] {strides = array<i32>} : memref<1600xf32, #tpu.memory_space<vmem>>, vector<16xf32>,
    %swap3A_270 = vector.shape_cast %swap3A_269 : vector<16xf32> to vector<16xf32>
    %swap3A_271 = vector.shape_cast %convert_element_type3A_267 : vector<16xf32> to vector<16xf32>
    tpu.vector_store %arg5[%swap3A_268], %swap3A_271 {strides = array<i32>} : memref<1600xf32, #tpu.memory_space<vmem>>, vector<16xf32>,
    %get3A_272 = arith.constant 544 : index
    %get3A_273 = tpu.vector_load %arg4[%get3A_272] {strides = array<i32>} : memref<1600xi32, #tpu.memory_space<vmem>>, vector<16xi32>,
    %get3A_274 = vector.shape_cast %get3A_273 : vector<16xi32> to vector<16xi32>
    %convert_element_type3A_275 = arith.sitofp %get3A_274 : vector<16xi32> to vector<16xf32>
    %swap3A_276 = arith.constant 544 : index
    %swap3A_277 = tpu.vector_load %arg5[%swap3A_276] {strides = array<i32>} : memref<1600xf32, #tpu.memory_space<vmem>>, vector<16xf32>,
    %swap3A_278 = vector.shape_cast %swap3A_277 : vector<16xf32> to vector<16xf32>
    %swap3A_279 = vector.shape_cast %convert_element_type3A_275 : vector<16xf32> to vector<16xf32>
    tpu.vector_store %arg5[%swap3A_276], %swap3A_279 {strides = array<i32>} : memref<1600xf32, #tpu.memory_space<vmem>>, vector<16xf32>,
    %get3A_280 = arith.constant 560 : index
    %get3A_281 = tpu.vector_load %arg4[%get3A_280] {strides = array<i32>} : memref<1600xi32, #tpu.memory_space<vmem>>, vector<16xi32>,
    %get3A_282 = vector.shape_cast %get3A_281 : vector<16xi32> to vector<16xi32>
    %convert_element_type3A_283 = arith.sitofp %get3A_282 : vector<16xi32> to vector<16xf32>
    %swap3A_284 = arith.constant 560 : index
    %swap3A_285 = tpu.vector_load %arg5[%swap3A_284] {strides = array<i32>} : memref<1600xf32, #tpu.memory_space<vmem>>, vector<16xf32>,
    %swap3A_286 = vector.shape_cast %swap3A_285 : vector<16xf32> to vector<16xf32>
    %swap3A_287 = vector.shape_cast %convert_element_type3A_283 : vector<16xf32> to vector<16xf32>
    tpu.vector_store %arg5[%swap3A_284], %swap3A_287 {strides = array<i32>} : memref<1600xf32, #tpu.memory_space<vmem>>, vector<16xf32>,
    %get3A_288 = arith.constant 576 : index
    %get3A_289 = tpu.vector_load %arg4[%get3A_288] {strides = array<i32>} : memref<1600xi32, #tpu.memory_space<vmem>>, vector<16xi32>,
    %get3A_290 = vector.shape_cast %get3A_289 : vector<16xi32> to vector<16xi32>
    %convert_element_type3A_291 = arith.sitofp %get3A_290 : vector<16xi32> to vector<16xf32>
    %swap3A_292 = arith.constant 576 : index
    %swap3A_293 = tpu.vector_load %arg5[%swap3A_292] {strides = array<i32>} : memref<1600xf32, #tpu.memory_space<vmem>>, vector<16xf32>,
    %swap3A_294 = vector.shape_cast %swap3A_293 : vector<16xf32> to vector<16xf32>
    %swap3A_295 = vector.shape_cast %convert_element_type3A_291 : vector<16xf32> to vector<16xf32>
    tpu.vector_store %arg5[%swap3A_292], %swap3A_295 {strides = array<i32>} : memref<1600xf32, #tpu.memory_space<vmem>>, vector<16xf32>,
    %get3A_296 = arith.constant 592 : index
    %get3A_297 = tpu.vector_load %arg4[%get3A_296] {strides = array<i32>} : memref<1600xi32, #tpu.memory_space<vmem>>, vector<16xi32>,
    %get3A_298 = vector.shape_cast %get3A_297 : vector<16xi32> to vector<16xi32>
    %convert_element_type3A_299 = arith.sitofp %get3A_298 : vector<16xi32> to vector<16xf32>
    %swap3A_300 = arith.constant 592 : index
    %swap3A_301 = tpu.vector_load %arg5[%swap3A_300] {strides = array<i32>} : memref<1600xf32, #tpu.memory_space<vmem>>, vector<16xf32>,
    %swap3A_302 = vector.shape_cast %swap3A_301 : vector<16xf32> to vector<16xf32>
    %swap3A_303 = vector.shape_cast %convert_element_type3A_299 : vector<16xf32> to vector<16xf32>
    tpu.vector_store %arg5[%swap3A_300], %swap3A_303 {strides = array<i32>} : memref<1600xf32, #tpu.memory_space<vmem>>, vector<16xf32>,
    %get3A_304 = arith.constant 608 : index
    %get3A_305 = tpu.vector_load %arg4[%get3A_304] {strides = array<i32>} : memref<1600xi32, #tpu.memory_space<vmem>>, vector<16xi32>,
    %get3A_306 = vector.shape_cast %get3A_305 : vector<16xi32> to vector<16xi32>
    %convert_element_type3A_307 = arith.sitofp %get3A_306 : vector<16xi32> to vector<16xf32>
    %swap3A_308 = arith.constant 608 : index
    %swap3A_309 = tpu.vector_load %arg5[%swap3A_308] {strides = array<i32>} : memref<1600xf32, #tpu.memory_space<vmem>>, vector<16xf32>,
    %swap3A_310 = vector.shape_cast %swap3A_309 : vector<16xf32> to vector<16xf32>
    %swap3A_311 = vector.shape_cast %convert_element_type3A_307 : vector<16xf32> to vector<16xf32>
    tpu.vector_store %arg5[%swap3A_308], %swap3A_311 {strides = array<i32>} : memref<1600xf32, #tpu.memory_space<vmem>>, vector<16xf32>,
    %get3A_312 = arith.constant 624 : index
    %get3A_313 = tpu.vector_load %arg4[%get3A_312] {strides = array<i32>} : memref<1600xi32, #tpu.memory_space<vmem>>, vector<16xi32>,
    %get3A_314 = vector.shape_cast %get3A_313 : vector<16xi32> to vector<16xi32>
    %convert_element_type3A_315 = arith.sitofp %get3A_314 : vector<16xi32> to vector<16xf32>
    %swap3A_316 = arith.constant 624 : index
    %swap3A_317 = tpu.vector_load %arg5[%swap3A_316] {strides = array<i32>} : memref<1600xf32, #tpu.memory_space<vmem>>, vector<16xf32>,
    %swap3A_318 = vector.shape_cast %swap3A_317 : vector<16xf32> to vector<16xf32>
    %swap3A_319 = vector.shape_cast %convert_element_type3A_315 : vector<16xf32> to vector<16xf32>
    tpu.vector_store %arg5[%swap3A_316], %swap3A_319 {strides = array<i32>} : memref<1600xf32, #tpu.memory_space<vmem>>, vector<16xf32>,
    %get3A_320 = arith.constant 640 : index
    %get3A_321 = tpu.vector_load %arg4[%get3A_320] {strides = array<i32>} : memref<1600xi32, #tpu.memory_space<vmem>>, vector<16xi32>,
    %get3A_322 = vector.shape_cast %get3A_321 : vector<16xi32> to vector<16xi32>
    %convert_element_type3A_323 = arith.sitofp %get3A_322 : vector<16xi32> to vector<16xf32>
    %swap3A_324 = arith.constant 640 : index
    %swap3A_325 = tpu.vector_load %arg5[%swap3A_324] {strides = array<i32>} : memref<1600xf32, #tpu.memory_space<vmem>>, vector<16xf32>,
    %swap3A_326 = vector.shape_cast %swap3A_325 : vector<16xf32> to vector<16xf32>
    %swap3A_327 = vector.shape_cast %convert_element_type3A_323 : vector<16xf32> to vector<16xf32>
    tpu.vector_store %arg5[%swap3A_324], %swap3A_327 {strides = array<i32>} : memref<1600xf32, #tpu.memory_space<vmem>>, vector<16xf32>,
    %get3A_328 = arith.constant 656 : index
    %get3A_329 = tpu.vector_load %arg4[%get3A_328] {strides = array<i32>} : memref<1600xi32, #tpu.memory_space<vmem>>, vector<16xi32>,
    %get3A_330 = vector.shape_cast %get3A_329 : vector<16xi32> to vector<16xi32>
    %convert_element_type3A_331 = arith.sitofp %get3A_330 : vector<16xi32> to vector<16xf32>
    %swap3A_332 = arith.constant 656 : index
    %swap3A_333 = tpu.vector_load %arg5[%swap3A_332] {strides = array<i32>} : memref<1600xf32, #tpu.memory_space<vmem>>, vector<16xf32>,
    %swap3A_334 = vector.shape_cast %swap3A_333 : vector<16xf32> to vector<16xf32>
    %swap3A_335 = vector.shape_cast %convert_element_type3A_331 : vector<16xf32> to vector<16xf32>
    tpu.vector_store %arg5[%swap3A_332], %swap3A_335 {strides = array<i32>} : memref<1600xf32, #tpu.memory_space<vmem>>, vector<16xf32>,
    %get3A_336 = arith.constant 672 : index
    %get3A_337 = tpu.vector_load %arg4[%get3A_336] {strides = array<i32>} : memref<1600xi32, #tpu.memory_space<vmem>>, vector<16xi32>,
    %get3A_338 = vector.shape_cast %get3A_337 : vector<16xi32> to vector<16xi32>
    %convert_element_type3A_339 = arith.sitofp %get3A_338 : vector<16xi32> to vector<16xf32>
    %swap3A_340 = arith.constant 672 : index
    %swap3A_341 = tpu.vector_load %arg5[%swap3A_340] {strides = array<i32>} : memref<1600xf32, #tpu.memory_space<vmem>>, vector<16xf32>,
    %swap3A_342 = vector.shape_cast %swap3A_341 : vector<16xf32> to vector<16xf32>
    %swap3A_343 = vector.shape_cast %convert_element_type3A_339 : vector<16xf32> to vector<16xf32>
    tpu.vector_store %arg5[%swap3A_340], %swap3A_343 {strides = array<i32>} : memref<1600xf32, #tpu.memory_space<vmem>>, vector<16xf32>,
    %get3A_344 = arith.constant 688 : index
    %get3A_345 = tpu.vector_load %arg4[%get3A_344] {strides = array<i32>} : memref<1600xi32, #tpu.memory_space<vmem>>, vector<16xi32>,
    %get3A_346 = vector.shape_cast %get3A_345 : vector<16xi32> to vector<16xi32>
    %convert_element_type3A_347 = arith.sitofp %get3A_346 : vector<16xi32> to vector<16xf32>
    %swap3A_348 = arith.constant 688 : index
    %swap3A_349 = tpu.vector_load %arg5[%swap3A_348] {strides = array<i32>} : memref<1600xf32, #tpu.memory_space<vmem>>, vector<16xf32>,
    %swap3A_350 = vector.shape_cast %swap3A_349 : vector<16xf32> to vector<16xf32>
    %swap3A_351 = vector.shape_cast %convert_element_type3A_347 : vector<16xf32> to vector<16xf32>
    tpu.vector_store %arg5[%swap3A_348], %swap3A_351 {strides = array<i32>} : memref<1600xf32, #tpu.memory_space<vmem>>, vector<16xf32>,
    %get3A_352 = arith.constant 704 : index
    %get3A_353 = tpu.vector_load %arg4[%get3A_352] {strides = array<i32>} : memref<1600xi32, #tpu.memory_space<vmem>>, vector<16xi32>,
    %get3A_354 = vector.shape_cast %get3A_353 : vector<16xi32> to vector<16xi32>
    %convert_element_type3A_355 = arith.sitofp %get3A_354 : vector<16xi32> to vector<16xf32>
    %swap3A_356 = arith.constant 704 : index
    %swap3A_357 = tpu.vector_load %arg5[%swap3A_356] {strides = array<i32>} : memref<1600xf32, #tpu.memory_space<vmem>>, vector<16xf32>,
    %swap3A_358 = vector.shape_cast %swap3A_357 : vector<16xf32> to vector<16xf32>
    %swap3A_359 = vector.shape_cast %convert_element_type3A_355 : vector<16xf32> to vector<16xf32>
    tpu.vector_store %arg5[%swap3A_356], %swap3A_359 {strides = array<i32>} : memref<1600xf32, #tpu.memory_space<vmem>>, vector<16xf32>,
    %get3A_360 = arith.constant 720 : index
    %get3A_361 = tpu.vector_load %arg4[%get3A_360] {strides = array<i32>} : memref<1600xi32, #tpu.memory_space<vmem>>, vector<16xi32>,
    %get3A_362 = vector.shape_cast %get3A_361 : vector<16xi32> to vector<16xi32>
    %convert_element_type3A_363 = arith.sitofp %get3A_362 : vector<16xi32> to vector<16xf32>
    %swap3A_364 = arith.constant 720 : index
    %swap3A_365 = tpu.vector_load %arg5[%swap3A_364] {strides = array<i32>} : memref<1600xf32, #tpu.memory_space<vmem>>, vector<16xf32>,
    %swap3A_366 = vector.shape_cast %swap3A_365 : vector<16xf32> to vector<16xf32>
    %swap3A_367 = vector.shape_cast %convert_element_type3A_363 : vector<16xf32> to vector<16xf32>
    tpu.vector_store %arg5[%swap3A_364], %swap3A_367 {strides = array<i32>} : memref<1600xf32, #tpu.memory_space<vmem>>, vector<16xf32>,
    %get3A_368 = arith.constant 736 : index
    %get3A_369 = tpu.vector_load %arg4[%get3A_368] {strides = array<i32>} : memref<1600xi32, #tpu.memory_space<vmem>>, vector<16xi32>,
    %get3A_370 = vector.shape_cast %get3A_369 : vector<16xi32> to vector<16xi32>
    %convert_element_type3A_371 = arith.sitofp %get3A_370 : vector<16xi32> to vector<16xf32>
    %swap3A_372 = arith.constant 736 : index
    %swap3A_373 = tpu.vector_load %arg5[%swap3A_372] {strides = array<i32>} : memref<1600xf32, #tpu.memory_space<vmem>>, vector<16xf32>,
    %swap3A_374 = vector.shape_cast %swap3A_373 : vector<16xf32> to vector<16xf32>
    %swap3A_375 = vector.shape_cast %convert_element_type3A_371 : vector<16xf32> to vector<16xf32>
    tpu.vector_store %arg5[%swap3A_372], %swap3A_375 {strides = array<i32>} : memref<1600xf32, #tpu.memory_space<vmem>>, vector<16xf32>,
    %get3A_376 = arith.constant 752 : index
    %get3A_377 = tpu.vector_load %arg4[%get3A_376] {strides = array<i32>} : memref<1600xi32, #tpu.memory_space<vmem>>, vector<16xi32>,
    %get3A_378 = vector.shape_cast %get3A_377 : vector<16xi32> to vector<16xi32>
    %convert_element_type3A_379 = arith.sitofp %get3A_378 : vector<16xi32> to vector<16xf32>
    %swap3A_380 = arith.constant 752 : index
    %swap3A_381 = tpu.vector_load %arg5[%swap3A_380] {strides = array<i32>} : memref<1600xf32, #tpu.memory_space<vmem>>, vector<16xf32>,
    %swap3A_382 = vector.shape_cast %swap3A_381 : vector<16xf32> to vector<16xf32>
    %swap3A_383 = vector.shape_cast %convert_element_type3A_379 : vector<16xf32> to vector<16xf32>
    tpu.vector_store %arg5[%swap3A_380], %swap3A_383 {strides = array<i32>} : memref<1600xf32, #tpu.memory_space<vmem>>, vector<16xf32>,
    %get3A_384 = arith.constant 768 : index
    %get3A_385 = tpu.vector_load %arg4[%get3A_384] {strides = array<i32>} : memref<1600xi32, #tpu.memory_space<vmem>>, vector<16xi32>,
    %get3A_386 = vector.shape_cast %get3A_385 : vector<16xi32> to vector<16xi32>
    %convert_element_type3A_387 = arith.sitofp %get3A_386 : vector<16xi32> to vector<16xf32>
    %swap3A_388 = arith.constant 768 : index
    %swap3A_389 = tpu.vector_load %arg5[%swap3A_388] {strides = array<i32>} : memref<1600xf32, #tpu.memory_space<vmem>>, vector<16xf32>,
    %swap3A_390 = vector.shape_cast %swap3A_389 : vector<16xf32> to vector<16xf32>
    %swap3A_391 = vector.shape_cast %convert_element_type3A_387 : vector<16xf32> to vector<16xf32>
    tpu.vector_store %arg5[%swap3A_388], %swap3A_391 {strides = array<i32>} : memref<1600xf32, #tpu.memory_space<vmem>>, vector<16xf32>,
    %get3A_392 = arith.constant 784 : index
    %get3A_393 = tpu.vector_load %arg4[%get3A_392] {strides = array<i32>} : memref<1600xi32, #tpu.memory_space<vmem>>, vector<16xi32>,
    %get3A_394 = vector.shape_cast %get3A_393 : vector<16xi32> to vector<16xi32>
    %convert_element_type3A_395 = arith.sitofp %get3A_394 : vector<16xi32> to vector<16xf32>
    %swap3A_396 = arith.constant 784 : index
    %swap3A_397 = tpu.vector_load %arg5[%swap3A_396] {strides = array<i32>} : memref<1600xf32, #tpu.memory_space<vmem>>, vector<16xf32>,
    %swap3A_398 = vector.shape_cast %swap3A_397 : vector<16xf32> to vector<16xf32>
    %swap3A_399 = vector.shape_cast %convert_element_type3A_395 : vector<16xf32> to vector<16xf32>
    tpu.vector_store %arg5[%swap3A_396], %swap3A_399 {strides = array<i32>} : memref<1600xf32, #tpu.memory_space<vmem>>, vector<16xf32>,
    %get3A_400 = arith.constant 800 : index
    %get3A_401 = tpu.vector_load %arg4[%get3A_400] {strides = array<i32>} : memref<1600xi32, #tpu.memory_space<vmem>>, vector<16xi32>,
    %get3A_402 = vector.shape_cast %get3A_401 : vector<16xi32> to vector<16xi32>
    %convert_element_type3A_403 = arith.sitofp %get3A_402 : vector<16xi32> to vector<16xf32>
    %swap3A_404 = arith.constant 800 : index
    %swap3A_405 = tpu.vector_load %arg5[%swap3A_404] {strides = array<i32>} : memref<1600xf32, #tpu.memory_space<vmem>>, vector<16xf32>,
    %swap3A_406 = vector.shape_cast %swap3A_405 : vector<16xf32> to vector<16xf32>
    %swap3A_407 = vector.shape_cast %convert_element_type3A_403 : vector<16xf32> to vector<16xf32>
    tpu.vector_store %arg5[%swap3A_404], %swap3A_407 {strides = array<i32>} : memref<1600xf32, #tpu.memory_space<vmem>>, vector<16xf32>,
    %get3A_408 = arith.constant 816 : index
    %get3A_409 = tpu.vector_load %arg4[%get3A_408] {strides = array<i32>} : memref<1600xi32, #tpu.memory_space<vmem>>, vector<16xi32>,
    %get3A_410 = vector.shape_cast %get3A_409 : vector<16xi32> to vector<16xi32>
    %convert_element_type3A_411 = arith.sitofp %get3A_410 : vector<16xi32> to vector<16xf32>
    %swap3A_412 = arith.constant 816 : index
    %swap3A_413 = tpu.vector_load %arg5[%swap3A_412] {strides = array<i32>} : memref<1600xf32, #tpu.memory_space<vmem>>, vector<16xf32>,
    %swap3A_414 = vector.shape_cast %swap3A_413 : vector<16xf32> to vector<16xf32>
    %swap3A_415 = vector.shape_cast %convert_element_type3A_411 : vector<16xf32> to vector<16xf32>
    tpu.vector_store %arg5[%swap3A_412], %swap3A_415 {strides = array<i32>} : memref<1600xf32, #tpu.memory_space<vmem>>, vector<16xf32>,
    %get3A_416 = arith.constant 832 : index
    %get3A_417 = tpu.vector_load %arg4[%get3A_416] {strides = array<i32>} : memref<1600xi32, #tpu.memory_space<vmem>>, vector<16xi32>,
    %get3A_418 = vector.shape_cast %get3A_417 : vector<16xi32> to vector<16xi32>
    %convert_element_type3A_419 = arith.sitofp %get3A_418 : vector<16xi32> to vector<16xf32>
    %swap3A_420 = arith.constant 832 : index
    %swap3A_421 = tpu.vector_load %arg5[%swap3A_420] {strides = array<i32>} : memref<1600xf32, #tpu.memory_space<vmem>>, vector<16xf32>,
    %swap3A_422 = vector.shape_cast %swap3A_421 : vector<16xf32> to vector<16xf32>
    %swap3A_423 = vector.shape_cast %convert_element_type3A_419 : vector<16xf32> to vector<16xf32>
    tpu.vector_store %arg5[%swap3A_420], %swap3A_423 {strides = array<i32>} : memref<1600xf32, #tpu.memory_space<vmem>>, vector<16xf32>,
    %get3A_424 = arith.constant 848 : index
    %get3A_425 = tpu.vector_load %arg4[%get3A_424] {strides = array<i32>} : memref<1600xi32, #tpu.memory_space<vmem>>, vector<16xi32>,
    %get3A_426 = vector.shape_cast %get3A_425 : vector<16xi32> to vector<16xi32>
    %convert_element_type3A_427 = arith.sitofp %get3A_426 : vector<16xi32> to vector<16xf32>
    %swap3A_428 = arith.constant 848 : index
    %swap3A_429 = tpu.vector_load %arg5[%swap3A_428] {strides = array<i32>} : memref<1600xf32, #tpu.memory_space<vmem>>, vector<16xf32>,
    %swap3A_430 = vector.shape_cast %swap3A_429 : vector<16xf32> to vector<16xf32>
    %swap3A_431 = vector.shape_cast %convert_element_type3A_427 : vector<16xf32> to vector<16xf32>
    tpu.vector_store %arg5[%swap3A_428], %swap3A_431 {strides = array<i32>} : memref<1600xf32, #tpu.memory_space<vmem>>, vector<16xf32>,
    %get3A_432 = arith.constant 864 : index
    %get3A_433 = tpu.vector_load %arg4[%get3A_432] {strides = array<i32>} : memref<1600xi32, #tpu.memory_space<vmem>>, vector<16xi32>,
    %get3A_434 = vector.shape_cast %get3A_433 : vector<16xi32> to vector<16xi32>
    %convert_element_type3A_435 = arith.sitofp %get3A_434 : vector<16xi32> to vector<16xf32>
    %swap3A_436 = arith.constant 864 : index
    %swap3A_437 = tpu.vector_load %arg5[%swap3A_436] {strides = array<i32>} : memref<1600xf32, #tpu.memory_space<vmem>>, vector<16xf32>,
    %swap3A_438 = vector.shape_cast %swap3A_437 : vector<16xf32> to vector<16xf32>
    %swap3A_439 = vector.shape_cast %convert_element_type3A_435 : vector<16xf32> to vector<16xf32>
    tpu.vector_store %arg5[%swap3A_436], %swap3A_439 {strides = array<i32>} : memref<1600xf32, #tpu.memory_space<vmem>>, vector<16xf32>,
    %get3A_440 = arith.constant 880 : index
    %get3A_441 = tpu.vector_load %arg4[%get3A_440] {strides = array<i32>} : memref<1600xi32, #tpu.memory_space<vmem>>, vector<16xi32>,
    %get3A_442 = vector.shape_cast %get3A_441 : vector<16xi32> to vector<16xi32>
    %convert_element_type3A_443 = arith.sitofp %get3A_442 : vector<16xi32> to vector<16xf32>
    %swap3A_444 = arith.constant 880 : index
    %swap3A_445 = tpu.vector_load %arg5[%swap3A_444] {strides = array<i32>} : memref<1600xf32, #tpu.memory_space<vmem>>, vector<16xf32>,
    %swap3A_446 = vector.shape_cast %swap3A_445 : vector<16xf32> to vector<16xf32>
    %swap3A_447 = vector.shape_cast %convert_element_type3A_443 : vector<16xf32> to vector<16xf32>
    tpu.vector_store %arg5[%swap3A_444], %swap3A_447 {strides = array<i32>} : memref<1600xf32, #tpu.memory_space<vmem>>, vector<16xf32>,
    %get3A_448 = arith.constant 896 : index
    %get3A_449 = tpu.vector_load %arg4[%get3A_448] {strides = array<i32>} : memref<1600xi32, #tpu.memory_space<vmem>>, vector<16xi32>,
    %get3A_450 = vector.shape_cast %get3A_449 : vector<16xi32> to vector<16xi32>
    %convert_element_type3A_451 = arith.sitofp %get3A_450 : vector<16xi32> to vector<16xf32>
    %swap3A_452 = arith.constant 896 : index
    %swap3A_453 = tpu.vector_load %arg5[%swap3A_452] {strides = array<i32>} : memref<1600xf32, #tpu.memory_space<vmem>>, vector<16xf32>,
    %swap3A_454 = vector.shape_cast %swap3A_453 : vector<16xf32> to vector<16xf32>
    %swap3A_455 = vector.shape_cast %convert_element_type3A_451 : vector<16xf32> to vector<16xf32>
    tpu.vector_store %arg5[%swap3A_452], %swap3A_455 {strides = array<i32>} : memref<1600xf32, #tpu.memory_space<vmem>>, vector<16xf32>,
    %get3A_456 = arith.constant 912 : index
    %get3A_457 = tpu.vector_load %arg4[%get3A_456] {strides = array<i32>} : memref<1600xi32, #tpu.memory_space<vmem>>, vector<16xi32>,
    %get3A_458 = vector.shape_cast %get3A_457 : vector<16xi32> to vector<16xi32>
    %convert_element_type3A_459 = arith.sitofp %get3A_458 : vector<16xi32> to vector<16xf32>
    %swap3A_460 = arith.constant 912 : index
    %swap3A_461 = tpu.vector_load %arg5[%swap3A_460] {strides = array<i32>} : memref<1600xf32, #tpu.memory_space<vmem>>, vector<16xf32>,
    %swap3A_462 = vector.shape_cast %swap3A_461 : vector<16xf32> to vector<16xf32>
    %swap3A_463 = vector.shape_cast %convert_element_type3A_459 : vector<16xf32> to vector<16xf32>
    tpu.vector_store %arg5[%swap3A_460], %swap3A_463 {strides = array<i32>} : memref<1600xf32, #tpu.memory_space<vmem>>, vector<16xf32>,
    %get3A_464 = arith.constant 928 : index
    %get3A_465 = tpu.vector_load %arg4[%get3A_464] {strides = array<i32>} : memref<1600xi32, #tpu.memory_space<vmem>>, vector<16xi32>,
    %get3A_466 = vector.shape_cast %get3A_465 : vector<16xi32> to vector<16xi32>
    %convert_element_type3A_467 = arith.sitofp %get3A_466 : vector<16xi32> to vector<16xf32>
    %swap3A_468 = arith.constant 928 : index
    %swap3A_469 = tpu.vector_load %arg5[%swap3A_468] {strides = array<i32>} : memref<1600xf32, #tpu.memory_space<vmem>>, vector<16xf32>,
    %swap3A_470 = vector.shape_cast %swap3A_469 : vector<16xf32> to vector<16xf32>
    %swap3A_471 = vector.shape_cast %convert_element_type3A_467 : vector<16xf32> to vector<16xf32>
    tpu.vector_store %arg5[%swap3A_468], %swap3A_471 {strides = array<i32>} : memref<1600xf32, #tpu.memory_space<vmem>>, vector<16xf32>,
    %get3A_472 = arith.constant 944 : index
    %get3A_473 = tpu.vector_load %arg4[%get3A_472] {strides = array<i32>} : memref<1600xi32, #tpu.memory_space<vmem>>, vector<16xi32>,
    %get3A_474 = vector.shape_cast %get3A_473 : vector<16xi32> to vector<16xi32>
    %convert_element_type3A_475 = arith.sitofp %get3A_474 : vector<16xi32> to vector<16xf32>
    %swap3A_476 = arith.constant 944 : index
    %swap3A_477 = tpu.vector_load %arg5[%swap3A_476] {strides = array<i32>} : memref<1600xf32, #tpu.memory_space<vmem>>, vector<16xf32>,
    %swap3A_478 = vector.shape_cast %swap3A_477 : vector<16xf32> to vector<16xf32>
    %swap3A_479 = vector.shape_cast %convert_element_type3A_475 : vector<16xf32> to vector<16xf32>
    tpu.vector_store %arg5[%swap3A_476], %swap3A_479 {strides = array<i32>} : memref<1600xf32, #tpu.memory_space<vmem>>, vector<16xf32>,
    %get3A_480 = arith.constant 960 : index
    %get3A_481 = tpu.vector_load %arg4[%get3A_480] {strides = array<i32>} : memref<1600xi32, #tpu.memory_space<vmem>>, vector<16xi32>,
    %get3A_482 = vector.shape_cast %get3A_481 : vector<16xi32> to vector<16xi32>
    %convert_element_type3A_483 = arith.sitofp %get3A_482 : vector<16xi32> to vector<16xf32>
    %swap3A_484 = arith.constant 960 : index
    %swap3A_485 = tpu.vector_load %arg5[%swap3A_484] {strides = array<i32>} : memref<1600xf32, #tpu.memory_space<vmem>>, vector<16xf32>,
    %swap3A_486 = vector.shape_cast %swap3A_485 : vector<16xf32> to vector<16xf32>
    %swap3A_487 = vector.shape_cast %convert_element_type3A_483 : vector<16xf32> to vector<16xf32>
    tpu.vector_store %arg5[%swap3A_484], %swap3A_487 {strides = array<i32>} : memref<1600xf32, #tpu.memory_space<vmem>>, vector<16xf32>,
    %get3A_488 = arith.constant 976 : index
    %get3A_489 = tpu.vector_load %arg4[%get3A_488] {strides = array<i32>} : memref<1600xi32, #tpu.memory_space<vmem>>, vector<16xi32>,
    %get3A_490 = vector.shape_cast %get3A_489 : vector<16xi32> to vector<16xi32>
    %convert_element_type3A_491 = arith.sitofp %get3A_490 : vector<16xi32> to vector<16xf32>
    %swap3A_492 = arith.constant 976 : index
    %swap3A_493 = tpu.vector_load %arg5[%swap3A_492] {strides = array<i32>} : memref<1600xf32, #tpu.memory_space<vmem>>, vector<16xf32>,
    %swap3A_494 = vector.shape_cast %swap3A_493 : vector<16xf32> to vector<16xf32>
    %swap3A_495 = vector.shape_cast %convert_element_type3A_491 : vector<16xf32> to vector<16xf32>
    tpu.vector_store %arg5[%swap3A_492], %swap3A_495 {strides = array<i32>} : memref<1600xf32, #tpu.memory_space<vmem>>, vector<16xf32>,
    %get3A_496 = arith.constant 992 : index
    %get3A_497 = tpu.vector_load %arg4[%get3A_496] {strides = array<i32>} : memref<1600xi32, #tpu.memory_space<vmem>>, vector<16xi32>,
    %get3A_498 = vector.shape_cast %get3A_497 : vector<16xi32> to vector<16xi32>
    %convert_element_type3A_499 = arith.sitofp %get3A_498 : vector<16xi32> to vector<16xf32>
    %swap3A_500 = arith.constant 992 : index
    %swap3A_501 = tpu.vector_load %arg5[%swap3A_500] {strides = array<i32>} : memref<1600xf32, #tpu.memory_space<vmem>>, vector<16xf32>,
    %swap3A_502 = vector.shape_cast %swap3A_501 : vector<16xf32> to vector<16xf32>
    %swap3A_503 = vector.shape_cast %convert_element_type3A_499 : vector<16xf32> to vector<16xf32>
    tpu.vector_store %arg5[%swap3A_500], %swap3A_503 {strides = array<i32>} : memref<1600xf32, #tpu.memory_space<vmem>>, vector<16xf32>,
    %get3A_504 = arith.constant 1008 : index
    %get3A_505 = tpu.vector_load %arg4[%get3A_504] {strides = array<i32>} : memref<1600xi32, #tpu.memory_space<vmem>>, vector<16xi32>,
    %get3A_506 = vector.shape_cast %get3A_505 : vector<16xi32> to vector<16xi32>
    %convert_element_type3A_507 = arith.sitofp %get3A_506 : vector<16xi32> to vector<16xf32>
    %swap3A_508 = arith.constant 1008 : index
    %swap3A_509 = tpu.vector_load %arg5[%swap3A_508] {strides = array<i32>} : memref<1600xf32, #tpu.memory_space<vmem>>, vector<16xf32>,
    %swap3A_510 = vector.shape_cast %swap3A_509 : vector<16xf32> to vector<16xf32>
    %swap3A_511 = vector.shape_cast %convert_element_type3A_507 : vector<16xf32> to vector<16xf32>
    tpu.vector_store %arg5[%swap3A_508], %swap3A_511 {strides = array<i32>} : memref<1600xf32, #tpu.memory_space<vmem>>, vector<16xf32>,
    %get3A_512 = arith.constant 1024 : index
    %get3A_513 = tpu.vector_load %arg4[%get3A_512] {strides = array<i32>} : memref<1600xi32, #tpu.memory_space<vmem>>, vector<16xi32>,
    %get3A_514 = vector.shape_cast %get3A_513 : vector<16xi32> to vector<16xi32>
    %convert_element_type3A_515 = arith.sitofp %get3A_514 : vector<16xi32> to vector<16xf32>
    %swap3A_516 = arith.constant 1024 : index
    %swap3A_517 = tpu.vector_load %arg5[%swap3A_516] {strides = array<i32>} : memref<1600xf32, #tpu.memory_space<vmem>>, vector<16xf32>,
    %swap3A_518 = vector.shape_cast %swap3A_517 : vector<16xf32> to vector<16xf32>
    %swap3A_519 = vector.shape_cast %convert_element_type3A_515 : vector<16xf32> to vector<16xf32>
    tpu.vector_store %arg5[%swap3A_516], %swap3A_519 {strides = array<i32>} : memref<1600xf32, #tpu.memory_space<vmem>>, vector<16xf32>,
    %get3A_520 = arith.constant 1040 : index
    %get3A_521 = tpu.vector_load %arg4[%get3A_520] {strides = array<i32>} : memref<1600xi32, #tpu.memory_space<vmem>>, vector<16xi32>,
    %get3A_522 = vector.shape_cast %get3A_521 : vector<16xi32> to vector<16xi32>
    %convert_element_type3A_523 = arith.sitofp %get3A_522 : vector<16xi32> to vector<16xf32>
    %swap3A_524 = arith.constant 1040 : index
    %swap3A_525 = tpu.vector_load %arg5[%swap3A_524] {strides = array<i32>} : memref<1600xf32, #tpu.memory_space<vmem>>, vector<16xf32>,
    %swap3A_526 = vector.shape_cast %swap3A_525 : vector<16xf32> to vector<16xf32>
    %swap3A_527 = vector.shape_cast %convert_element_type3A_523 : vector<16xf32> to vector<16xf32>
    tpu.vector_store %arg5[%swap3A_524], %swap3A_527 {strides = array<i32>} : memref<1600xf32, #tpu.memory_space<vmem>>, vector<16xf32>,
    %get3A_528 = arith.constant 1056 : index
    %get3A_529 = tpu.vector_load %arg4[%get3A_528] {strides = array<i32>} : memref<1600xi32, #tpu.memory_space<vmem>>, vector<16xi32>,
    %get3A_530 = vector.shape_cast %get3A_529 : vector<16xi32> to vector<16xi32>
    %convert_element_type3A_531 = arith.sitofp %get3A_530 : vector<16xi32> to vector<16xf32>
    %swap3A_532 = arith.constant 1056 : index
    %swap3A_533 = tpu.vector_load %arg5[%swap3A_532] {strides = array<i32>} : memref<1600xf32, #tpu.memory_space<vmem>>, vector<16xf32>,
    %swap3A_534 = vector.shape_cast %swap3A_533 : vector<16xf32> to vector<16xf32>
    %swap3A_535 = vector.shape_cast %convert_element_type3A_531 : vector<16xf32> to vector<16xf32>
    tpu.vector_store %arg5[%swap3A_532], %swap3A_535 {strides = array<i32>} : memref<1600xf32, #tpu.memory_space<vmem>>, vector<16xf32>,
    %get3A_536 = arith.constant 1072 : index
    %get3A_537 = tpu.vector_load %arg4[%get3A_536] {strides = array<i32>} : memref<1600xi32, #tpu.memory_space<vmem>>, vector<16xi32>,
    %get3A_538 = vector.shape_cast %get3A_537 : vector<16xi32> to vector<16xi32>
    %convert_element_type3A_539 = arith.sitofp %get3A_538 : vector<16xi32> to vector<16xf32>
    %swap3A_540 = arith.constant 1072 : index
    %swap3A_541 = tpu.vector_load %arg5[%swap3A_540] {strides = array<i32>} : memref<1600xf32, #tpu.memory_space<vmem>>, vector<16xf32>,
    %swap3A_542 = vector.shape_cast %swap3A_541 : vector<16xf32> to vector<16xf32>
    %swap3A_543 = vector.shape_cast %convert_element_type3A_539 : vector<16xf32> to vector<16xf32>
    tpu.vector_store %arg5[%swap3A_540], %swap3A_543 {strides = array<i32>} : memref<1600xf32, #tpu.memory_space<vmem>>, vector<16xf32>,
    %get3A_544 = arith.constant 1088 : index
    %get3A_545 = tpu.vector_load %arg4[%get3A_544] {strides = array<i32>} : memref<1600xi32, #tpu.memory_space<vmem>>, vector<16xi32>,
    %get3A_546 = vector.shape_cast %get3A_545 : vector<16xi32> to vector<16xi32>
    %convert_element_type3A_547 = arith.sitofp %get3A_546 : vector<16xi32> to vector<16xf32>
    %swap3A_548 = arith.constant 1088 : index
    %swap3A_549 = tpu.vector_load %arg5[%swap3A_548] {strides = array<i32>} : memref<1600xf32, #tpu.memory_space<vmem>>, vector<16xf32>,
    %swap3A_550 = vector.shape_cast %swap3A_549 : vector<16xf32> to vector<16xf32>
    %swap3A_551 = vector.shape_cast %convert_element_type3A_547 : vector<16xf32> to vector<16xf32>
    tpu.vector_store %arg5[%swap3A_548], %swap3A_551 {strides = array<i32>} : memref<1600xf32, #tpu.memory_space<vmem>>, vector<16xf32>,
    %get3A_552 = arith.constant 1104 : index
    %get3A_553 = tpu.vector_load %arg4[%get3A_552] {strides = array<i32>} : memref<1600xi32, #tpu.memory_space<vmem>>, vector<16xi32>,
    %get3A_554 = vector.shape_cast %get3A_553 : vector<16xi32> to vector<16xi32>
    %convert_element_type3A_555 = arith.sitofp %get3A_554 : vector<16xi32> to vector<16xf32>
    %swap3A_556 = arith.constant 1104 : index
    %swap3A_557 = tpu.vector_load %arg5[%swap3A_556] {strides = array<i32>} : memref<1600xf32, #tpu.memory_space<vmem>>, vector<16xf32>,
    %swap3A_558 = vector.shape_cast %swap3A_557 : vector<16xf32> to vector<16xf32>
    %swap3A_559 = vector.shape_cast %convert_element_type3A_555 : vector<16xf32> to vector<16xf32>
    tpu.vector_store %arg5[%swap3A_556], %swap3A_559 {strides = array<i32>} : memref<1600xf32, #tpu.memory_space<vmem>>, vector<16xf32>,
    %get3A_560 = arith.constant 1120 : index
    %get3A_561 = tpu.vector_load %arg4[%get3A_560] {strides = array<i32>} : memref<1600xi32, #tpu.memory_space<vmem>>, vector<16xi32>,
    %get3A_562 = vector.shape_cast %get3A_561 : vector<16xi32> to vector<16xi32>
    %convert_element_type3A_563 = arith.sitofp %get3A_562 : vector<16xi32> to vector<16xf32>
    %swap3A_564 = arith.constant 1120 : index
    %swap3A_565 = tpu.vector_load %arg5[%swap3A_564] {strides = array<i32>} : memref<1600xf32, #tpu.memory_space<vmem>>, vector<16xf32>,
    %swap3A_566 = vector.shape_cast %swap3A_565 : vector<16xf32> to vector<16xf32>
    %swap3A_567 = vector.shape_cast %convert_element_type3A_563 : vector<16xf32> to vector<16xf32>
    tpu.vector_store %arg5[%swap3A_564], %swap3A_567 {strides = array<i32>} : memref<1600xf32, #tpu.memory_space<vmem>>, vector<16xf32>,
    %get3A_568 = arith.constant 1136 : index
    %get3A_569 = tpu.vector_load %arg4[%get3A_568] {strides = array<i32>} : memref<1600xi32, #tpu.memory_space<vmem>>, vector<16xi32>,
    %get3A_570 = vector.shape_cast %get3A_569 : vector<16xi32> to vector<16xi32>
    %convert_element_type3A_571 = arith.sitofp %get3A_570 : vector<16xi32> to vector<16xf32>
    %swap3A_572 = arith.constant 1136 : index
    %swap3A_573 = tpu.vector_load %arg5[%swap3A_572] {strides = array<i32>} : memref<1600xf32, #tpu.memory_space<vmem>>, vector<16xf32>,
    %swap3A_574 = vector.shape_cast %swap3A_573 : vector<16xf32> to vector<16xf32>
    %swap3A_575 = vector.shape_cast %convert_element_type3A_571 : vector<16xf32> to vector<16xf32>
    tpu.vector_store %arg5[%swap3A_572], %swap3A_575 {strides = array<i32>} : memref<1600xf32, #tpu.memory_space<vmem>>, vector<16xf32>,
    %get3A_576 = arith.constant 1152 : index
    %get3A_577 = tpu.vector_load %arg4[%get3A_576] {strides = array<i32>} : memref<1600xi32, #tpu.memory_space<vmem>>, vector<16xi32>,
    %get3A_578 = vector.shape_cast %get3A_577 : vector<16xi32> to vector<16xi32>
    %convert_element_type3A_579 = arith.sitofp %get3A_578 : vector<16xi32> to vector<16xf32>
    %swap3A_580 = arith.constant 1152 : index
    %swap3A_581 = tpu.vector_load %arg5[%swap3A_580] {strides = array<i32>} : memref<1600xf32, #tpu.memory_space<vmem>>, vector<16xf32>,
    %swap3A_582 = vector.shape_cast %swap3A_581 : vector<16xf32> to vector<16xf32>
    %swap3A_583 = vector.shape_cast %convert_element_type3A_579 : vector<16xf32> to vector<16xf32>
    tpu.vector_store %arg5[%swap3A_580], %swap3A_583 {strides = array<i32>} : memref<1600xf32, #tpu.memory_space<vmem>>, vector<16xf32>,
    %get3A_584 = arith.constant 1168 : index
    %get3A_585 = tpu.vector_load %arg4[%get3A_584] {strides = array<i32>} : memref<1600xi32, #tpu.memory_space<vmem>>, vector<16xi32>,
    %get3A_586 = vector.shape_cast %get3A_585 : vector<16xi32> to vector<16xi32>
    %convert_element_type3A_587 = arith.sitofp %get3A_586 : vector<16xi32> to vector<16xf32>
    %swap3A_588 = arith.constant 1168 : index
    %swap3A_589 = tpu.vector_load %arg5[%swap3A_588] {strides = array<i32>} : memref<1600xf32, #tpu.memory_space<vmem>>, vector<16xf32>,
    %swap3A_590 = vector.shape_cast %swap3A_589 : vector<16xf32> to vector<16xf32>
    %swap3A_591 = vector.shape_cast %convert_element_type3A_587 : vector<16xf32> to vector<16xf32>
    tpu.vector_store %arg5[%swap3A_588], %swap3A_591 {strides = array<i32>} : memref<1600xf32, #tpu.memory_space<vmem>>, vector<16xf32>,
    %get3A_592 = arith.constant 1184 : index
    %get3A_593 = tpu.vector_load %arg4[%get3A_592] {strides = array<i32>} : memref<1600xi32, #tpu.memory_space<vmem>>, vector<16xi32>,
    %get3A_594 = vector.shape_cast %get3A_593 : vector<16xi32> to vector<16xi32>
    %convert_element_type3A_595 = arith.sitofp %get3A_594 : vector<16xi32> to vector<16xf32>
    %swap3A_596 = arith.constant 1184 : index
    %swap3A_597 = tpu.vector_load %arg5[%swap3A_596] {strides = array<i32>} : memref<1600xf32, #tpu.memory_space<vmem>>, vector<16xf32>,
    %swap3A_598 = vector.shape_cast %swap3A_597 : vector<16xf32> to vector<16xf32>
    %swap3A_599 = vector.shape_cast %convert_element_type3A_595 : vector<16xf32> to vector<16xf32>
    tpu.vector_store %arg5[%swap3A_596], %swap3A_599 {strides = array<i32>} : memref<1600xf32, #tpu.memory_space<vmem>>, vector<16xf32>,
    %get3A_600 = arith.constant 1200 : index
    %get3A_601 = tpu.vector_load %arg4[%get3A_600] {strides = array<i32>} : memref<1600xi32, #tpu.memory_space<vmem>>, vector<16xi32>,
    %get3A_602 = vector.shape_cast %get3A_601 : vector<16xi32> to vector<16xi32>
    %convert_element_type3A_603 = arith.sitofp %get3A_602 : vector<16xi32> to vector<16xf32>
    %swap3A_604 = arith.constant 1200 : index
    %swap3A_605 = tpu.vector_load %arg5[%swap3A_604] {strides = array<i32>} : memref<1600xf32, #tpu.memory_space<vmem>>, vector<16xf32>,
    %swap3A_606 = vector.shape_cast %swap3A_605 : vector<16xf32> to vector<16xf32>
    %swap3A_607 = vector.shape_cast %convert_element_type3A_603 : vector<16xf32> to vector<16xf32>
    tpu.vector_store %arg5[%swap3A_604], %swap3A_607 {strides = array<i32>} : memref<1600xf32, #tpu.memory_space<vmem>>, vector<16xf32>,
    %get3A_608 = arith.constant 1216 : index
    %get3A_609 = tpu.vector_load %arg4[%get3A_608] {strides = array<i32>} : memref<1600xi32, #tpu.memory_space<vmem>>, vector<16xi32>,
    %get3A_610 = vector.shape_cast %get3A_609 : vector<16xi32> to vector<16xi32>
    %convert_element_type3A_611 = arith.sitofp %get3A_610 : vector<16xi32> to vector<16xf32>
    %swap3A_612 = arith.constant 1216 : index
    %swap3A_613 = tpu.vector_load %arg5[%swap3A_612] {strides = array<i32>} : memref<1600xf32, #tpu.memory_space<vmem>>, vector<16xf32>,
    %swap3A_614 = vector.shape_cast %swap3A_613 : vector<16xf32> to vector<16xf32>
    %swap3A_615 = vector.shape_cast %convert_element_type3A_611 : vector<16xf32> to vector<16xf32>
    tpu.vector_store %arg5[%swap3A_612], %swap3A_615 {strides = array<i32>} : memref<1600xf32, #tpu.memory_space<vmem>>, vector<16xf32>,
    %get3A_616 = arith.constant 1232 : index
    %get3A_617 = tpu.vector_load %arg4[%get3A_616] {strides = array<i32>} : memref<1600xi32, #tpu.memory_space<vmem>>, vector<16xi32>,
    %get3A_618 = vector.shape_cast %get3A_617 : vector<16xi32> to vector<16xi32>
    %convert_element_type3A_619 = arith.sitofp %get3A_618 : vector<16xi32> to vector<16xf32>
    %swap3A_620 = arith.constant 1232 : index
    %swap3A_621 = tpu.vector_load %arg5[%swap3A_620] {strides = array<i32>} : memref<1600xf32, #tpu.memory_space<vmem>>, vector<16xf32>,
    %swap3A_622 = vector.shape_cast %swap3A_621 : vector<16xf32> to vector<16xf32>
    %swap3A_623 = vector.shape_cast %convert_element_type3A_619 : vector<16xf32> to vector<16xf32>
    tpu.vector_store %arg5[%swap3A_620], %swap3A_623 {strides = array<i32>} : memref<1600xf32, #tpu.memory_space<vmem>>, vector<16xf32>,
    %get3A_624 = arith.constant 1248 : index
    %get3A_625 = tpu.vector_load %arg4[%get3A_624] {strides = array<i32>} : memref<1600xi32, #tpu.memory_space<vmem>>, vector<16xi32>,
    %get3A_626 = vector.shape_cast %get3A_625 : vector<16xi32> to vector<16xi32>
    %convert_element_type3A_627 = arith.sitofp %get3A_626 : vector<16xi32> to vector<16xf32>
    %swap3A_628 = arith.constant 1248 : index
    %swap3A_629 = tpu.vector_load %arg5[%swap3A_628] {strides = array<i32>} : memref<1600xf32, #tpu.memory_space<vmem>>, vector<16xf32>,
    %swap3A_630 = vector.shape_cast %swap3A_629 : vector<16xf32> to vector<16xf32>
    %swap3A_631 = vector.shape_cast %convert_element_type3A_627 : vector<16xf32> to vector<16xf32>
    tpu.vector_store %arg5[%swap3A_628], %swap3A_631 {strides = array<i32>} : memref<1600xf32, #tpu.memory_space<vmem>>, vector<16xf32>,
    %get3A_632 = arith.constant 1264 : index
    %get3A_633 = tpu.vector_load %arg4[%get3A_632] {strides = array<i32>} : memref<1600xi32, #tpu.memory_space<vmem>>, vector<16xi32>,
    %get3A_634 = vector.shape_cast %get3A_633 : vector<16xi32> to vector<16xi32>
    %convert_element_type3A_635 = arith.sitofp %get3A_634 : vector<16xi32> to vector<16xf32>
    %swap3A_636 = arith.constant 1264 : index
    %swap3A_637 = tpu.vector_load %arg5[%swap3A_636] {strides = array<i32>} : memref<1600xf32, #tpu.memory_space<vmem>>, vector<16xf32>,
    %swap3A_638 = vector.shape_cast %swap3A_637 : vector<16xf32> to vector<16xf32>
    %swap3A_639 = vector.shape_cast %convert_element_type3A_635 : vector<16xf32> to vector<16xf32>
    tpu.vector_store %arg5[%swap3A_636], %swap3A_639 {strides = array<i32>} : memref<1600xf32, #tpu.memory_space<vmem>>, vector<16xf32>,
    %get3A_640 = arith.constant 1280 : index
    %get3A_641 = tpu.vector_load %arg4[%get3A_640] {strides = array<i32>} : memref<1600xi32, #tpu.memory_space<vmem>>, vector<16xi32>,
    %get3A_642 = vector.shape_cast %get3A_641 : vector<16xi32> to vector<16xi32>
    %convert_element_type3A_643 = arith.sitofp %get3A_642 : vector<16xi32> to vector<16xf32>
    %swap3A_644 = arith.constant 1280 : index
    %swap3A_645 = tpu.vector_load %arg5[%swap3A_644] {strides = array<i32>} : memref<1600xf32, #tpu.memory_space<vmem>>, vector<16xf32>,
    %swap3A_646 = vector.shape_cast %swap3A_645 : vector<16xf32> to vector<16xf32>
    %swap3A_647 = vector.shape_cast %convert_element_type3A_643 : vector<16xf32> to vector<16xf32>
    tpu.vector_store %arg5[%swap3A_644], %swap3A_647 {strides = array<i32>} : memref<1600xf32, #tpu.memory_space<vmem>>, vector<16xf32>,
    %get3A_648 = arith.constant 1296 : index
    %get3A_649 = tpu.vector_load %arg4[%get3A_648] {strides = array<i32>} : memref<1600xi32, #tpu.memory_space<vmem>>, vector<16xi32>,
    %get3A_650 = vector.shape_cast %get3A_649 : vector<16xi32> to vector<16xi32>
    %convert_element_type3A_651 = arith.sitofp %get3A_650 : vector<16xi32> to vector<16xf32>
    %swap3A_652 = arith.constant 1296 : index
    %swap3A_653 = tpu.vector_load %arg5[%swap3A_652] {strides = array<i32>} : memref<1600xf32, #tpu.memory_space<vmem>>, vector<16xf32>,
    %swap3A_654 = vector.shape_cast %swap3A_653 : vector<16xf32> to vector<16xf32>
    %swap3A_655 = vector.shape_cast %convert_element_type3A_651 : vector<16xf32> to vector<16xf32>
    tpu.vector_store %arg5[%swap3A_652], %swap3A_655 {strides = array<i32>} : memref<1600xf32, #tpu.memory_space<vmem>>, vector<16xf32>,
    %get3A_656 = arith.constant 1312 : index
    %get3A_657 = tpu.vector_load %arg4[%get3A_656] {strides = array<i32>} : memref<1600xi32, #tpu.memory_space<vmem>>, vector<16xi32>,
    %get3A_658 = vector.shape_cast %get3A_657 : vector<16xi32> to vector<16xi32>
    %convert_element_type3A_659 = arith.sitofp %get3A_658 : vector<16xi32> to vector<16xf32>
    %swap3A_660 = arith.constant 1312 : index
    %swap3A_661 = tpu.vector_load %arg5[%swap3A_660] {strides = array<i32>} : memref<1600xf32, #tpu.memory_space<vmem>>, vector<16xf32>,
    %swap3A_662 = vector.shape_cast %swap3A_661 : vector<16xf32> to vector<16xf32>
    %swap3A_663 = vector.shape_cast %convert_element_type3A_659 : vector<16xf32> to vector<16xf32>
    tpu.vector_store %arg5[%swap3A_660], %swap3A_663 {strides = array<i32>} : memref<1600xf32, #tpu.memory_space<vmem>>, vector<16xf32>,
    %get3A_664 = arith.constant 1328 : index
    %get3A_665 = tpu.vector_load %arg4[%get3A_664] {strides = array<i32>} : memref<1600xi32, #tpu.memory_space<vmem>>, vector<16xi32>,
    %get3A_666 = vector.shape_cast %get3A_665 : vector<16xi32> to vector<16xi32>
    %convert_element_type3A_667 = arith.sitofp %get3A_666 : vector<16xi32> to vector<16xf32>
    %swap3A_668 = arith.constant 1328 : index
    %swap3A_669 = tpu.vector_load %arg5[%swap3A_668] {strides = array<i32>} : memref<1600xf32, #tpu.memory_space<vmem>>, vector<16xf32>,
    %swap3A_670 = vector.shape_cast %swap3A_669 : vector<16xf32> to vector<16xf32>
    %swap3A_671 = vector.shape_cast %convert_element_type3A_667 : vector<16xf32> to vector<16xf32>
    tpu.vector_store %arg5[%swap3A_668], %swap3A_671 {strides = array<i32>} : memref<1600xf32, #tpu.memory_space<vmem>>, vector<16xf32>,
    %get3A_672 = arith.constant 1344 : index
    %get3A_673 = tpu.vector_load %arg4[%get3A_672] {strides = array<i32>} : memref<1600xi32, #tpu.memory_space<vmem>>, vector<16xi32>,
    %get3A_674 = vector.shape_cast %get3A_673 : vector<16xi32> to vector<16xi32>
    %convert_element_type3A_675 = arith.sitofp %get3A_674 : vector<16xi32> to vector<16xf32>
    %swap3A_676 = arith.constant 1344 : index
    %swap3A_677 = tpu.vector_load %arg5[%swap3A_676] {strides = array<i32>} : memref<1600xf32, #tpu.memory_space<vmem>>, vector<16xf32>,
    %swap3A_678 = vector.shape_cast %swap3A_677 : vector<16xf32> to vector<16xf32>
    %swap3A_679 = vector.shape_cast %convert_element_type3A_675 : vector<16xf32> to vector<16xf32>
    tpu.vector_store %arg5[%swap3A_676], %swap3A_679 {strides = array<i32>} : memref<1600xf32, #tpu.memory_space<vmem>>, vector<16xf32>,
    %get3A_680 = arith.constant 1360 : index
    %get3A_681 = tpu.vector_load %arg4[%get3A_680] {strides = array<i32>} : memref<1600xi32, #tpu.memory_space<vmem>>, vector<16xi32>,
    %get3A_682 = vector.shape_cast %get3A_681 : vector<16xi32> to vector<16xi32>
    %convert_element_type3A_683 = arith.sitofp %get3A_682 : vector<16xi32> to vector<16xf32>
    %swap3A_684 = arith.constant 1360 : index
    %swap3A_685 = tpu.vector_load %arg5[%swap3A_684] {strides = array<i32>} : memref<1600xf32, #tpu.memory_space<vmem>>, vector<16xf32>,
    %swap3A_686 = vector.shape_cast %swap3A_685 : vector<16xf32> to vector<16xf32>
    %swap3A_687 = vector.shape_cast %convert_element_type3A_683 : vector<16xf32> to vector<16xf32>
    tpu.vector_store %arg5[%swap3A_684], %swap3A_687 {strides = array<i32>} : memref<1600xf32, #tpu.memory_space<vmem>>, vector<16xf32>,
    %get3A_688 = arith.constant 1376 : index
    %get3A_689 = tpu.vector_load %arg4[%get3A_688] {strides = array<i32>} : memref<1600xi32, #tpu.memory_space<vmem>>, vector<16xi32>,
    %get3A_690 = vector.shape_cast %get3A_689 : vector<16xi32> to vector<16xi32>
    %convert_element_type3A_691 = arith.sitofp %get3A_690 : vector<16xi32> to vector<16xf32>
    %swap3A_692 = arith.constant 1376 : index
    %swap3A_693 = tpu.vector_load %arg5[%swap3A_692] {strides = array<i32>} : memref<1600xf32, #tpu.memory_space<vmem>>, vector<16xf32>,
    %swap3A_694 = vector.shape_cast %swap3A_693 : vector<16xf32> to vector<16xf32>
    %swap3A_695 = vector.shape_cast %convert_element_type3A_691 : vector<16xf32> to vector<16xf32>
    tpu.vector_store %arg5[%swap3A_692], %swap3A_695 {strides = array<i32>} : memref<1600xf32, #tpu.memory_space<vmem>>, vector<16xf32>,
    %get3A_696 = arith.constant 1392 : index
    %get3A_697 = tpu.vector_load %arg4[%get3A_696] {strides = array<i32>} : memref<1600xi32, #tpu.memory_space<vmem>>, vector<16xi32>,
    %get3A_698 = vector.shape_cast %get3A_697 : vector<16xi32> to vector<16xi32>
    %convert_element_type3A_699 = arith.sitofp %get3A_698 : vector<16xi32> to vector<16xf32>
    %swap3A_700 = arith.constant 1392 : index
    %swap3A_701 = tpu.vector_load %arg5[%swap3A_700] {strides = array<i32>} : memref<1600xf32, #tpu.memory_space<vmem>>, vector<16xf32>,
    %swap3A_702 = vector.shape_cast %swap3A_701 : vector<16xf32> to vector<16xf32>
    %swap3A_703 = vector.shape_cast %convert_element_type3A_699 : vector<16xf32> to vector<16xf32>
    tpu.vector_store %arg5[%swap3A_700], %swap3A_703 {strides = array<i32>} : memref<1600xf32, #tpu.memory_space<vmem>>, vector<16xf32>,
    %get3A_704 = arith.constant 1408 : index
    %get3A_705 = tpu.vector_load %arg4[%get3A_704] {strides = array<i32>} : memref<1600xi32, #tpu.memory_space<vmem>>, vector<16xi32>,
    %get3A_706 = vector.shape_cast %get3A_705 : vector<16xi32> to vector<16xi32>
    %convert_element_type3A_707 = arith.sitofp %get3A_706 : vector<16xi32> to vector<16xf32>
    %swap3A_708 = arith.constant 1408 : index
    %swap3A_709 = tpu.vector_load %arg5[%swap3A_708] {strides = array<i32>} : memref<1600xf32, #tpu.memory_space<vmem>>, vector<16xf32>,
    %swap3A_710 = vector.shape_cast %swap3A_709 : vector<16xf32> to vector<16xf32>
    %swap3A_711 = vector.shape_cast %convert_element_type3A_707 : vector<16xf32> to vector<16xf32>
    tpu.vector_store %arg5[%swap3A_708], %swap3A_711 {strides = array<i32>} : memref<1600xf32, #tpu.memory_space<vmem>>, vector<16xf32>,
    %get3A_712 = arith.constant 1424 : index
    %get3A_713 = tpu.vector_load %arg4[%get3A_712] {strides = array<i32>} : memref<1600xi32, #tpu.memory_space<vmem>>, vector<16xi32>,
    %get3A_714 = vector.shape_cast %get3A_713 : vector<16xi32> to vector<16xi32>
    %convert_element_type3A_715 = arith.sitofp %get3A_714 : vector<16xi32> to vector<16xf32>
    %swap3A_716 = arith.constant 1424 : index
    %swap3A_717 = tpu.vector_load %arg5[%swap3A_716] {strides = array<i32>} : memref<1600xf32, #tpu.memory_space<vmem>>, vector<16xf32>,
    %swap3A_718 = vector.shape_cast %swap3A_717 : vector<16xf32> to vector<16xf32>
    %swap3A_719 = vector.shape_cast %convert_element_type3A_715 : vector<16xf32> to vector<16xf32>
    tpu.vector_store %arg5[%swap3A_716], %swap3A_719 {strides = array<i32>} : memref<1600xf32, #tpu.memory_space<vmem>>, vector<16xf32>,
    %get3A_720 = arith.constant 1440 : index
    %get3A_721 = tpu.vector_load %arg4[%get3A_720] {strides = array<i32>} : memref<1600xi32, #tpu.memory_space<vmem>>, vector<16xi32>,
    %get3A_722 = vector.shape_cast %get3A_721 : vector<16xi32> to vector<16xi32>
    %convert_element_type3A_723 = arith.sitofp %get3A_722 : vector<16xi32> to vector<16xf32>
    %swap3A_724 = arith.constant 1440 : index
    %swap3A_725 = tpu.vector_load %arg5[%swap3A_724] {strides = array<i32>} : memref<1600xf32, #tpu.memory_space<vmem>>, vector<16xf32>,
    %swap3A_726 = vector.shape_cast %swap3A_725 : vector<16xf32> to vector<16xf32>
    %swap3A_727 = vector.shape_cast %convert_element_type3A_723 : vector<16xf32> to vector<16xf32>
    tpu.vector_store %arg5[%swap3A_724], %swap3A_727 {strides = array<i32>} : memref<1600xf32, #tpu.memory_space<vmem>>, vector<16xf32>,
    %get3A_728 = arith.constant 1456 : index
    %get3A_729 = tpu.vector_load %arg4[%get3A_728] {strides = array<i32>} : memref<1600xi32, #tpu.memory_space<vmem>>, vector<16xi32>,
    %get3A_730 = vector.shape_cast %get3A_729 : vector<16xi32> to vector<16xi32>
    %convert_element_type3A_731 = arith.sitofp %get3A_730 : vector<16xi32> to vector<16xf32>
    %swap3A_732 = arith.constant 1456 : index
    %swap3A_733 = tpu.vector_load %arg5[%swap3A_732] {strides = array<i32>} : memref<1600xf32, #tpu.memory_space<vmem>>, vector<16xf32>,
    %swap3A_734 = vector.shape_cast %swap3A_733 : vector<16xf32> to vector<16xf32>
    %swap3A_735 = vector.shape_cast %convert_element_type3A_731 : vector<16xf32> to vector<16xf32>
    tpu.vector_store %arg5[%swap3A_732], %swap3A_735 {strides = array<i32>} : memref<1600xf32, #tpu.memory_space<vmem>>, vector<16xf32>,
    %get3A_736 = arith.constant 1472 : index
    %get3A_737 = tpu.vector_load %arg4[%get3A_736] {strides = array<i32>} : memref<1600xi32, #tpu.memory_space<vmem>>, vector<16xi32>,
    %get3A_738 = vector.shape_cast %get3A_737 : vector<16xi32> to vector<16xi32>
    %convert_element_type3A_739 = arith.sitofp %get3A_738 : vector<16xi32> to vector<16xf32>
    %swap3A_740 = arith.constant 1472 : index
    %swap3A_741 = tpu.vector_load %arg5[%swap3A_740] {strides = array<i32>} : memref<1600xf32, #tpu.memory_space<vmem>>, vector<16xf32>,
    %swap3A_742 = vector.shape_cast %swap3A_741 : vector<16xf32> to vector<16xf32>
    %swap3A_743 = vector.shape_cast %convert_element_type3A_739 : vector<16xf32> to vector<16xf32>
    tpu.vector_store %arg5[%swap3A_740], %swap3A_743 {strides = array<i32>} : memref<1600xf32, #tpu.memory_space<vmem>>, vector<16xf32>,
    %get3A_744 = arith.constant 1488 : index
    %get3A_745 = tpu.vector_load %arg4[%get3A_744] {strides = array<i32>} : memref<1600xi32, #tpu.memory_space<vmem>>, vector<16xi32>,
    %get3A_746 = vector.shape_cast %get3A_745 : vector<16xi32> to vector<16xi32>
    %convert_element_type3A_747 = arith.sitofp %get3A_746 : vector<16xi32> to vector<16xf32>
    %swap3A_748 = arith.constant 1488 : index
    %swap3A_749 = tpu.vector_load %arg5[%swap3A_748] {strides = array<i32>} : memref<1600xf32, #tpu.memory_space<vmem>>, vector<16xf32>,
    %swap3A_750 = vector.shape_cast %swap3A_749 : vector<16xf32> to vector<16xf32>
    %swap3A_751 = vector.shape_cast %convert_element_type3A_747 : vector<16xf32> to vector<16xf32>
    tpu.vector_store %arg5[%swap3A_748], %swap3A_751 {strides = array<i32>} : memref<1600xf32, #tpu.memory_space<vmem>>, vector<16xf32>,
    %get3A_752 = arith.constant 1504 : index
    %get3A_753 = tpu.vector_load %arg4[%get3A_752] {strides = array<i32>} : memref<1600xi32, #tpu.memory_space<vmem>>, vector<16xi32>,
    %get3A_754 = vector.shape_cast %get3A_753 : vector<16xi32> to vector<16xi32>
    %convert_element_type3A_755 = arith.sitofp %get3A_754 : vector<16xi32> to vector<16xf32>
    %swap3A_756 = arith.constant 1504 : index
    %swap3A_757 = tpu.vector_load %arg5[%swap3A_756] {strides = array<i32>} : memref<1600xf32, #tpu.memory_space<vmem>>, vector<16xf32>,
    %swap3A_758 = vector.shape_cast %swap3A_757 : vector<16xf32> to vector<16xf32>
    %swap3A_759 = vector.shape_cast %convert_element_type3A_755 : vector<16xf32> to vector<16xf32>
    tpu.vector_store %arg5[%swap3A_756], %swap3A_759 {strides = array<i32>} : memref<1600xf32, #tpu.memory_space<vmem>>, vector<16xf32>,
    %get3A_760 = arith.constant 1520 : index
    %get3A_761 = tpu.vector_load %arg4[%get3A_760] {strides = array<i32>} : memref<1600xi32, #tpu.memory_space<vmem>>, vector<16xi32>,
    %get3A_762 = vector.shape_cast %get3A_761 : vector<16xi32> to vector<16xi32>
    %convert_element_type3A_763 = arith.sitofp %get3A_762 : vector<16xi32> to vector<16xf32>
    %swap3A_764 = arith.constant 1520 : index
    %swap3A_765 = tpu.vector_load %arg5[%swap3A_764] {strides = array<i32>} : memref<1600xf32, #tpu.memory_space<vmem>>, vector<16xf32>,
    %swap3A_766 = vector.shape_cast %swap3A_765 : vector<16xf32> to vector<16xf32>
    %swap3A_767 = vector.shape_cast %convert_element_type3A_763 : vector<16xf32> to vector<16xf32>
    tpu.vector_store %arg5[%swap3A_764], %swap3A_767 {strides = array<i32>} : memref<1600xf32, #tpu.memory_space<vmem>>, vector<16xf32>,
    %get3A_768 = arith.constant 1536 : index
    %get3A_769 = tpu.vector_load %arg4[%get3A_768] {strides = array<i32>} : memref<1600xi32, #tpu.memory_space<vmem>>, vector<16xi32>,
    %get3A_770 = vector.shape_cast %get3A_769 : vector<16xi32> to vector<16xi32>
    %convert_element_type3A_771 = arith.sitofp %get3A_770 : vector<16xi32> to vector<16xf32>
    %swap3A_772 = arith.constant 1536 : index
    %swap3A_773 = tpu.vector_load %arg5[%swap3A_772] {strides = array<i32>} : memref<1600xf32, #tpu.memory_space<vmem>>, vector<16xf32>,
    %swap3A_774 = vector.shape_cast %swap3A_773 : vector<16xf32> to vector<16xf32>
    %swap3A_775 = vector.shape_cast %convert_element_type3A_771 : vector<16xf32> to vector<16xf32>
    tpu.vector_store %arg5[%swap3A_772], %swap3A_775 {strides = array<i32>} : memref<1600xf32, #tpu.memory_space<vmem>>, vector<16xf32>,
    %get3A_776 = arith.constant 1552 : index
    %get3A_777 = tpu.vector_load %arg4[%get3A_776] {strides = array<i32>} : memref<1600xi32, #tpu.memory_space<vmem>>, vector<16xi32>,
    %get3A_778 = vector.shape_cast %get3A_777 : vector<16xi32> to vector<16xi32>
    %convert_element_type3A_779 = arith.sitofp %get3A_778 : vector<16xi32> to vector<16xf32>
    %swap3A_780 = arith.constant 1552 : index
    %swap3A_781 = tpu.vector_load %arg5[%swap3A_780] {strides = array<i32>} : memref<1600xf32, #tpu.memory_space<vmem>>, vector<16xf32>,
    %swap3A_782 = vector.shape_cast %swap3A_781 : vector<16xf32> to vector<16xf32>
    %swap3A_783 = vector.shape_cast %convert_element_type3A_779 : vector<16xf32> to vector<16xf32>
    tpu.vector_store %arg5[%swap3A_780], %swap3A_783 {strides = array<i32>} : memref<1600xf32, #tpu.memory_space<vmem>>, vector<16xf32>,
    %get3A_784 = arith.constant 1568 : index
    %get3A_785 = tpu.vector_load %arg4[%get3A_784] {strides = array<i32>} : memref<1600xi32, #tpu.memory_space<vmem>>, vector<16xi32>,
    %get3A_786 = vector.shape_cast %get3A_785 : vector<16xi32> to vector<16xi32>
    %convert_element_type3A_787 = arith.sitofp %get3A_786 : vector<16xi32> to vector<16xf32>
    %swap3A_788 = arith.constant 1568 : index
    %swap3A_789 = tpu.vector_load %arg5[%swap3A_788] {strides = array<i32>} : memref<1600xf32, #tpu.memory_space<vmem>>, vector<16xf32>,
    %swap3A_790 = vector.shape_cast %swap3A_789 : vector<16xf32> to vector<16xf32>
    %swap3A_791 = vector.shape_cast %convert_element_type3A_787 : vector<16xf32> to vector<16xf32>
    tpu.vector_store %arg5[%swap3A_788], %swap3A_791 {strides = array<i32>} : memref<1600xf32, #tpu.memory_space<vmem>>, vector<16xf32>,
    %get3A_792 = arith.constant 1584 : index
    %get3A_793 = tpu.vector_load %arg4[%get3A_792] {strides = array<i32>} : memref<1600xi32, #tpu.memory_space<vmem>>, vector<16xi32>,
    %get3A_794 = vector.shape_cast %get3A_793 : vector<16xi32> to vector<16xi32>
    %convert_element_type3A_795 = arith.sitofp %get3A_794 : vector<16xi32> to vector<16xf32>
    %swap3A_796 = arith.constant 1584 : index
    %swap3A_797 = tpu.vector_load %arg5[%swap3A_796] {strides = array<i32>} : memref<1600xf32, #tpu.memory_space<vmem>>, vector<16xf32>,
    %swap3A_798 = vector.shape_cast %swap3A_797 : vector<16xf32> to vector<16xf32>
    %swap3A_799 = vector.shape_cast %convert_element_type3A_795 : vector<16xf32> to vector<16xf32>
    tpu.vector_store %arg5[%swap3A_796], %swap3A_799 {strides = array<i32>} : memref<1600xf32, #tpu.memory_space<vmem>>, vector<16xf32>,
    "tpu.region"() ({
      %run_scoped3A = tpu.sem_alloc : memref<!tpu.dma_semaphore, #tpu.memory_space<semaphore_mem>>
      %dma_start3A = tpu.memref_slice %arg3[%mul3A_2] : memref<51200xf32, #tpu.memory_space<hbm>> -> memref<1600xf32, #tpu.memory_space<hbm>>
      %dma_start3A_800 = tpu.memref_slice %arg3[%mul3A_2] : memref<51200xf32, #tpu.memory_space<hbm>> -> memref<1600xf32, #tpu.memory_space<hbm>>
      tpu.enqueue_dma source(%arg5 : memref<1600xf32, #tpu.memory_space<vmem>>) target(%dma_start3A_800 : memref<1600xf32, #tpu.memory_space<hbm>>) target_semaphore(%run_scoped3A : memref<!tpu.dma_semaphore, #tpu.memory_space<semaphore_mem>>)
      %dma_wait3A = tpu.memref_slice %arg3[%mul3A_2] : memref<51200xf32, #tpu.memory_space<hbm>> -> memref<1600xf32, #tpu.memory_space<hbm>>
      %dma_wait3A_801 = tpu.memref_slice %arg3[%mul3A_2] : memref<51200xf32, #tpu.memory_space<hbm>> -> memref<1600xf32, #tpu.memory_space<hbm>>
      tpu.wait_dma2 semaphore(%run_scoped3A : memref<!tpu.dma_semaphore, #tpu.memory_space<semaphore_mem>>) src(%arg5 : memref<1600xf32, #tpu.memory_space<vmem>>) dst(%dma_wait3A_801 : memref<1600xf32, #tpu.memory_space<hbm>>)
      tpu.yield
    }) : () -> ()
    return
  }
}

</mosaic_0001>

<sc_bundles>
// kernel: kernel.3.cloned.1.call-start
scs
__scs_entry_jumppad:
0x0: {  	(pc) =	sbr.rel $0x88, $3  }
0x1: {  	(tag) =	ssettag $0x0;
	lr =	simm.s32 $0x1  }
0x2: {  	[smem:$0x3FA0] =	sst lr;
	_ =	strace $0xD0000000  }
0x3: {  	_ = 	snop  }
0x4: {  	_ = 	snop  }
0x5: {  	_ = 	snop  }
0x6: {  	_ = 	snop  }
0x7: {  	_ = 	snop  }
__scs_overlays_trampoline_lowered:
0x8: {  	[smem:$0x3FAF] =	sst s0  }
0x9: {  	[smem:$0x3FB0] =	sst s1  }
0xa: {  	[smem:$0x3FB1] =	sst s2  }
0xb: {  	[smem:$0x3FB2] =	sst s3  }
0xc: {  	[smem:$0x3FB3] =	sst s4  }
0xd: {  	[smem:$0x3FB4] =	sst s5  }
0xe: {  	[smem:$0x3FB5] =	sst s6  }
0xf: {  	[smem:$0x3FB6] =	sst s7  }
0x10: {  	[smem:$0x3FB7] =	sst s8  }
0x11: {  	[smem:$0x3FB8] =	sst s9;
	s0 =	simm.s32 @!p0 $0x0  }
0x12: {  	s1 =	sld [smem:$0x3F9E];
	s0 =	simm.s32 @p0 $0x1  }
0x13: {  	[smem:$0x3FB9] =	sst s0;
	s0 =	simm.s32 @!p1 $0x0  }
0x14: {  	s2 =	sld [smem:$0x3F9D];
	s0 =	simm.s32 @p1 $0x1  }
0x15: {  	[smem:$0x3FBA] =	sst s0;
	s0 =	simm.s32 @!p2 $0x0  }
0x16: {  	s3 =	sld [smem:$0x3FDB];
	s0 =	simm.s32 @p2 $0x1  }
0x17: {  	s4 =	simm.s32 $0x1BF5;
	[smem:$0x3FBC] =	sst s0  }
0x18: {  	s0 =	sld [smem:$0x3F9F];
	_ =	swait.ge [sflag:s4], $0x0  }
0x19: {  	s7 =	sld [smem:$0x3FA0]  }
0x1a: {  	s8 =	sadd.s32 $0xFFFFE003, lr  }
0x1b: {  	s9 =	sadd.s32 $0xFFFFFEF7, lr;
	s5 =	simm.s32 $0xFFFFFFFF;
	p2 =	slt.u32 s8, $0xFFFFF086  }
0x1c: {  	p1 =	slt.u32 s9, $0xF7A;
	s5 =	simm.s32 @!p2 $0x0  }
0x1d: {  	s5 =	simm.s32 @p1 $0x1;
	p0 =	seq.s32 s7, s2  }
0x1e: {  	s7 =	smul.u32 @!p0 $0xF7A, s2;
	p2 =	seq.s32 @!p0 s5, $0x0  }
0x1f: {  	s9 =	smul.u32 $0xF7A, s1;
	s8 =	simm.s32 @!p0 $0x1BF5;
	p2 =	por !p2, p0  }
0x20: {  	[sflag:s8] =	ssyncset.s32 @!p0 $0xFFFFF086;
	s6 =	sadd.s32 @!p0 s3, s7;
	s7 =	simm.s32 @!p0 $0x108  }
0x21: {  	s3 =	sadd.s32 s3, s9;
	s6 =	sadd.s32 @!p0 $0x88, s6;
	s7 =	simm.s32 @p2 $0x1082  }
0x22: {  	[simem:s7], [sflag:s8] =	dma.local @!p0 [hbm:s6], $0xF7A  }
0x23: {  	s9 =	sor.u32 $0xD0000000, s2;
	s6 =	simm.s32 $0x108;
	_ =	swait.ge @!p0 [sflag:s8], $0x0  }
0x24: {  	s3 =	sadd.s32 $0x88, s3;
	s6 =	simm.s32 @!p1 $0x1082;
	[sflag:s4] =	ssyncset.s32 $0xFFFFF086  }
0x25: {  	[simem:s6], [sflag:s4] =	dma.local [hbm:s3], $0xF7A  }
0x26: {  	[smem:$0x3FA0] =	sst s1;
	(tag) =	ssettag s2;
	_ =	strace s9  }
0x27: {  	s1 =	sld [smem:$0x3FB0]  }
0x28: {  	s2 =	sld [smem:$0x3FB1]  }
0x29: {  	s4 =	sld [smem:$0x3FB3]  }
0x2a: {  	p0 =	seq.s32 s5, $0x0;
	s5 =	sld [smem:$0x3FB4]  }
0x2b: {  	s6 =	sld [smem:$0x3FB5]  }
0x2c: {  	s7 =	sld [smem:$0x3FB6]  }
0x2d: {  	s3 =	simm.s32 $0x108;
	s8 =	sld [smem:$0x3FB7]  }
0x2e: {  	s3 =	simm.s32 @!p0 $0x1082;
	s9 =	sld [smem:$0x3FB8]  }
0x2f: {  	lr =	sadd.s32 s0, s3;
	s0 =	sld [smem:$0x3FAF]  }
0x30: {  	s3 =	sld [smem:$0x3FB2]  }
0x31: {  	[smem:$0x3FBB] =	sst s10  }
0x32: {  	s10 =	sld [smem:$0x3FB9];
	_ =	sdelay $0x3  }
0x33: {  	p0 =	seq.s32 s10, $0x1;
	s10 =	sld [smem:$0x3FBB];
	_ =	sdelay $0x3  }
0x34: {  	[smem:$0x3FBB] =	sst s10  }
0x35: {  	s10 =	sld [smem:$0x3FBA];
	_ =	sdelay $0x3  }
0x36: {  	p1 =	seq.s32 s10, $0x1;
	s10 =	sld [smem:$0x3FBB];
	_ =	sdelay $0x3  }
0x37: {  	[smem:$0x3FBB] =	sst s10  }
0x38: {  	s10 =	sld [smem:$0x3FBC]  }
0x39: {  	_ = 	snop;
	(pc) =	sbr.ind lr, $3  }
0x3a: {  	_ = 	snop  }
0x3b: {  	_ = 	snop  }
0x3c: {  	p2 =	seq.s32 s10, $0x1;
	s10 =	sld [smem:$0x3FBB]  }
0x3d: {  	_ =	shalt  }
0x3e: {  	_ =	shalt  }
0x3f: {  	_ =	shalt  }
0x40: {  	_ =	shalt  }
0x41: {  	_ =	shalt  }
0x42: {  	_ =	shalt  }
0x43: {  	_ =	shalt  }
0x44: {  	_ =	shalt  }
0x45: {  	_ =	shalt  }
0x46: {  	_ =	shalt  }
0x47: {  	_ =	shalt  }
0x48: {  	_ =	shalt  }
0x49: {  	_ =	shalt  }
0x4a: {  	_ =	shalt  }
0x4b: {  	_ =	shalt  }
0x4c: {  	_ =	shalt  }
0x4d: {  	_ =	shalt  }
0x4e: {  	_ =	shalt  }
0x4f: {  	_ =	shalt  }
0x50: {  	_ =	shalt  }
0x51: {  	_ =	shalt  }
0x52: {  	_ =	shalt  }
0x53: {  	_ =	shalt  }
0x54: {  	_ =	shalt  }
0x55: {  	_ =	shalt  }
0x56: {  	_ =	shalt  }
0x57: {  	_ =	shalt  }
0x58: {  	_ =	shalt  }
0x59: {  	_ =	shalt  }
0x5a: {  	_ =	shalt  }
0x5b: {  	_ =	shalt  }
0x5c: {  	_ =	shalt  }
0x5d: {  	_ =	shalt  }
0x5e: {  	_ =	shalt  }
0x5f: {  	_ =	shalt  }
0x60: {  	_ =	shalt  }
0x61: {  	_ =	shalt  }
0x62: {  	_ =	shalt  }
0x63: {  	_ =	shalt  }
0x64: {  	_ =	shalt  }
0x65: {  	_ =	shalt  }
0x66: {  	_ =	shalt  }
0x67: {  	_ =	shalt  }
0x68: {  	_ =	shalt  }
0x69: {  	_ =	shalt  }
0x6a: {  	_ =	shalt  }
0x6b: {  	_ =	shalt  }
0x6c: {  	_ =	shalt  }
0x6d: {  	_ =	shalt  }
0x6e: {  	_ =	shalt  }
0x6f: {  	_ =	shalt  }
0x70: {  	_ =	shalt  }
0x71: {  	_ =	shalt  }
0x72: {  	_ =	shalt  }
0x73: {  	_ =	shalt  }
0x74: {  	_ =	shalt  }
0x75: {  	_ =	shalt  }
0x76: {  	_ =	shalt  }
0x77: {  	_ =	shalt  }
0x78: {  	_ =	shalt  }
0x79: {  	_ =	shalt  }
0x7a: {  	_ =	shalt  }
0x7b: {  	_ =	shalt  }
0x7c: {  	_ =	shalt  }
0x7d: {  	_ =	shalt  }
0x7e: {  	_ =	shalt  }
0x7f: {  	_ =	shalt  }
0x80: {  	_ =	shalt  }
0x81: {  	_ =	shalt  }
0x82: {  	_ =	shalt  }
0x83: {  	_ =	shalt  }
0x84: {  	_ =	shalt  }
0x85: {  	_ =	shalt  }
0x86: {  	_ =	shalt  }
0x87: {  	_ =	shalt  }
.Lfunc_end0:
.L_simem_size_0:
called_computation_lowered:
.L_overlay_start_0:
0x88: {  	s2 =	sld [smem:$0x3FD9]  }
0x89: {  	s3 =	sld [smem:$0x3FFE];
	_ =	sdelay $0x1  }
0x8a: {  	s1 =	srdreg.scid  }
0x8b: {  	s0 =	sand.u32 $0x1, s1  }
0x8c: {  	s16 =	sshll.u32 s0, $0xA;
	s2 =	sadd.s32 s3, s2  }
0x8d: {  	s2 =	sadd.s32 s2, s16  }
0x8e: {  	[smem:$0x3FC7] =	sst s2  }
0x8f: {  	_ = 	snop  }
0x90: {  	(tm) =	ssettm $0x1  }
0x91: {  	s17 =	sld [smem:$0x3FFB];
	_ =	sdelay $0x3  }
0x92: {  	_ =	strace s17  }
0x93: {  	s2 =	sld [smem:$0x3FFC];
	_ =	sdelay $0x3  }
0x94: {  	_ =	strace s2  }
0x95: {  	s2 =	sld [smem:$0x3FFD];
	_ =	sdelay $0x3  }
0x96: {  	_ =	strace s2  }
0x97: {  	_ =	strace $0x8FFFFFFF  }
0x98: {  	s18 =	sld [smem:$0x3FDB];
	_ =	sdelay $0x1  }
0x99: {  	s19 =	simm.s32 $_scs_section_size  }
0x9a: {  	s4 =	simm.s32 $_size__tile_overlayer_lowered;
	s5 =	simm.s32 $_tile_overlayer_lowered  }
0x9b: {  	s22 =	simm.s32 $0x1BFF;
	s21 =	sshll.u32 s5, $0x1;
	s2 =	sadd.s32 s19, s18  }
0x9c: {  	s6 =	simm.s32 $0x0;
	s20 =	sshll.u32 s4, $0x1;
	s4 =	sadd.s32 s21, s2  }
0x9d: {  	[timem:s6], [sflag:s22] =	dma.local [hbm:s4], s20  }
0x9e: {  	_ =	swait.ge [sflag:s22], s20  }
0x9f: {  	s3 =	ssub.s32 $0x0, s20;
	[sflag:s22] =	ssyncset.done $0x0  }
0xa0: {  	[sflag:s22] =	ssyncadd.s32 s3;
	_ =	sdelay $0x1  }
0xa1: {  	s23 =	simm.s32 $0x1B8B  }
0xa2: {  	_ =	swait.ge [sflag:s23], $0x1  }
0xa3: {  	[sflag:s23] =	ssyncset.done $0x0  }
0xa4: {  	s25 =	simm.s32 $0x1B8E;
	s24 =	sld [smem:$0x3FFE];
	[sflag:s23] =	ssyncadd.s32 $0xFFFFFFFF  }
0xa5: {  	s26 =	simm.s32 $execute0_lowered;
	[smem:$0x3FD2] =	sst s25  }
0xa6: {  	s4 =	sshll.u32 s26, $0x1;
	_ =	strace $0x80000046;
	[dreg:$0x1] =	wrdreg $0xFFFFFFFF  }
0xa7: {  	s28 =	simm.s32 $_size_execute0_lowered;
	s2 =	sadd.s32 s2, s4;
	[dreg:$0x0] =	wrdreg $0x0  }
0xa8: {  	s4 =	sshll.u32 s28, $0x1;
	[dreg:$0x2] =	wrdreg s2  }
0xa9: {  	[dreg:$0x3] =	wrdreg s4  }
0xaa: {  	[dreg:$0x4] =	wrdreg $0xC0  }
0xab: {  	_ =	task [dreg:s6], $0x5FFFF  }
0xac: {  	[dreg:$0x1] =	wrdreg $0xFFFFFFFF  }
0xad: {  	[dreg:$0x0] =	wrdreg $0x60  }
0xae: {  	[dreg:$0x2] =	wrdreg s24  }
0xaf: {  	[dreg:$0x3] =	wrdreg $0x9  }
0xb0: {  	_ =	task.clear_ibuf [dreg:s6], $0x4FFFF;
	_ =	strace $0x90000046  }
0xb1: {  	s29 =	simm.s32 $0x9;
	_ =	strace $0x80000048  }
0xb2: {  	_ =	swait.ge [sflag:s29], $0x1  }
0xb3: {  	[sflag:s29] =	ssyncadd.s32 $0xFFFFFFFF  }
0xb4: {  	_ =	strace $0x90000048  }
0xb5: {  	_ =	sfence  }
0xb6: {  	s30 =	sld [smem:$0x0];
	_ =	sdelay $0x2  }
0xb7: {  	s31 =	sshll.u32 s1, $0xD;
	s1 =	sshrl.u32 s1, $0x2  }
0xb8: {  	s3 =	sand.u32 $0x4000, s31;
	s1 =	sadd.s32 s1, s30  }
0xb9: {  	s0 =	sor.u32 s3, s0;
	s1 =	sshll.u32 s1, $0x11  }
0xba: {  	s0 =	sor.u32 s1, s0  }
0xbb: {  	s0 =	sadd.s32 $0x8F2B, s0  }
0xbc: {  	[sflag:s0] =	ssyncadd.remote.s32 $0x1  }
0xbd: {  	_ =	sfence.sel $0xFFFF  }
0xbe: {  	[dreg:$0x0] =	wrdreg $0xFFFFFFFF;
	(pc) =	sbr.abs _section_cstart, $3  }
0xbf: {  	[dreg:$0x1] =	wrdreg $0xFFFFFFFF  }
0xc0: {  	_ =	task.clear_ibuf [dreg:s6], $0x2FFFF;
	_ =	strace $0x9FFFFFFF  }
0xc1: {  	(tm) =	ssettm $0x7FFFFFFF  }
tec
execute0_lowered:
.L_overlay_start_1:
0x0: {  	(tag) =	ssettag $0x1  }
0x1: {  	s1 =	srdreg.scid;
	s0 =	stileid.u32  }
0x2: {  	s3 =	sand.u32 $0x1, s1;
	s30 =	sshll.u32 s0, $0x1  }
0x3: {  	s4 =	rddreg [dreg:$0x0];
	s2 =	simm.s32 $0x0;
	s1 =	sor.u32 s3, s30  }
0x4: {  	[smem:$0x7FF] =	sst s2;
	s6 =	ssub.s32 $0x2, s3;
	s5 =	smul.u32 $0xC8, s1  }
0x5: {  	s1 =	rddreg [dreg:$0x1];
	s7 =	sshrl.u32 s6, $0x1;
	_ =	strace $0x80000047  }
0x6: {  	s31 =	ssub.s32 s6, s7;
	s6 =	simm.s32 $0x1;
	s3 =	sadd.s32 s4, s5  }
0x7: {  	s7 =	simm.s32 $0x680;
	s5 =	smax.u32 s31, $0x1;
	s4 =	sadd.s32 $0x1A00, s3  }
.LBB2_1:
0x8: {  	[tilespmem:s2], [sflag:$0x1] =	stream.linear.gather [hbm4b:s3+s2], $0x640, $0x38;
	[tilespmem:$0xD00] =	vst v63  }
0x9: {  	_ =	swait.ge [sflag:s6], $0x640  }
0xa: {  	[sflag:s6] =	ssyncset.done $0x0  }
0xb: {  	[sflag:s6] =	ssyncadd.s32 $0xFFFFF9C0  }
0xc: {  	v0 =	vld [tilespmem:$0x0]  }
0xd: {  	v1 =	vld [tilespmem:$0x10]  }
0xe: {  	v2 =	vld [tilespmem:$0x20]  }
0xf: {  	v3 =	vld [tilespmem:$0x30]  }
0x10: {  	v4 =	vld [tilespmem:$0x40]  }
0x11: {  	v5 =	vld [tilespmem:$0x50];
	v0 =	vcvt.s32.f32 v0  }
0x12: {  	v6 =	vld [tilespmem:$0x60];
	v1 =	vcvt.s32.f32 v1  }
0x13: {  	v41 =	vld [tilespmem:$0x70];
	v40 =	vcvt.s32.f32 v2;
	[tilespmem:$0x680] =	vst v0  }
0x14: {  	v43 =	vld [tilespmem:$0x80];
	v42 =	vcvt.s32.f32 v3;
	[tilespmem:$0x690] =	vst v1  }
0x15: {  	v45 =	vld [tilespmem:$0x90];
	v44 =	vcvt.s32.f32 v4;
	[tilespmem:$0x6A0] =	vst v40  }
0x16: {  	v47 =	vld [tilespmem:$0xA0];
	v46 =	vcvt.s32.f32 v5;
	[tilespmem:$0x6B0] =	vst v42  }
0x17: {  	v49 =	vld [tilespmem:$0xB0];
	v48 =	vcvt.s32.f32 v6;
	[tilespmem:$0x6C0] =	vst v44  }
0x18: {  	v51 =	vld [tilespmem:$0xC0];
	v50 =	vcvt.s32.f32 v41;
	[tilespmem:$0x6D0] =	vst v46  }
0x19: {  	v53 =	vld [tilespmem:$0xD0];
	v52 =	vcvt.s32.f32 v43;
	[tilespmem:$0x6E0] =	vst v48  }
0x1a: {  	v55 =	vld [tilespmem:$0xE0];
	v54 =	vcvt.s32.f32 v45;
	[tilespmem:$0x6F0] =	vst v50  }
0x1b: {  	v57 =	vld [tilespmem:$0xF0];
	v56 =	vcvt.s32.f32 v47;
	[tilespmem:$0x700] =	vst v52  }
0x1c: {  	v59 =	vld [tilespmem:$0x100];
	v58 =	vcvt.s32.f32 v49;
	[tilespmem:$0x710] =	vst v54  }
0x1d: {  	v61 =	vld [tilespmem:$0x110];
	v60 =	vcvt.s32.f32 v51;
	[tilespmem:$0x720] =	vst v56  }
0x1e: {  	v63 =	vld [tilespmem:$0x120];
	v62 =	vcvt.s32.f32 v53;
	[tilespmem:$0x730] =	vst v58  }
0x1f: {  	v9 =	vld [tilespmem:$0x130];
	v8 =	vcvt.s32.f32 v55;
	[tilespmem:$0x740] =	vst v60  }
0x20: {  	v11 =	vld [tilespmem:$0x140];
	v10 =	vcvt.s32.f32 v57;
	[tilespmem:$0x750] =	vst v62  }
0x21: {  	v13 =	vld [tilespmem:$0x150];
	v12 =	vcvt.s32.f32 v59;
	[tilespmem:$0x760] =	vst v8  }
0x22: {  	v15 =	vld [tilespmem:$0x160];
	v14 =	vcvt.s32.f32 v61;
	[tilespmem:$0x770] =	vst v10  }
0x23: {  	v17 =	vld [tilespmem:$0x170];
	v16 =	vcvt.s32.f32 v63;
	[tilespmem:$0x780] =	vst v12  }
0x24: {  	v19 =	vld [tilespmem:$0x180];
	v18 =	vcvt.s32.f32 v9;
	[tilespmem:$0x790] =	vst v14  }
0x25: {  	v21 =	vld [tilespmem:$0x190];
	v20 =	vcvt.s32.f32 v11;
	[tilespmem:$0x7A0] =	vst v16  }
0x26: {  	v23 =	vld [tilespmem:$0x1A0];
	v22 =	vcvt.s32.f32 v13;
	[tilespmem:$0x7B0] =	vst v18  }
0x27: {  	v25 =	vld [tilespmem:$0x1B0];
	v24 =	vcvt.s32.f32 v15;
	[tilespmem:$0x7C0] =	vst v20  }
0x28: {  	v27 =	vld [tilespmem:$0x1C0];
	v26 =	vcvt.s32.f32 v17;
	[tilespmem:$0x7D0] =	vst v22  }
0x29: {  	v29 =	vld [tilespmem:$0x1D0];
	v28 =	vcvt.s32.f32 v19;
	[tilespmem:$0x7E0] =	vst v24  }
0x2a: {  	v31 =	vld [tilespmem:$0x1E0];
	v30 =	vcvt.s32.f32 v21;
	[tilespmem:$0x7F0] =	vst v26  }
0x2b: {  	v33 =	vld [tilespmem:$0x1F0];
	v32 =	vcvt.s32.f32 v23;
	[tilespmem:$0x800] =	vst v28  }
0x2c: {  	v35 =	vld [tilespmem:$0x200];
	v34 =	vcvt.s32.f32 v25;
	[tilespmem:$0x810] =	vst v30  }
0x2d: {  	v37 =	vld [tilespmem:$0x210];
	v36 =	vcvt.s32.f32 v27;
	[tilespmem:$0x820] =	vst v32  }
0x2e: {  	v39 =	vld [tilespmem:$0x220];
	v38 =	vcvt.s32.f32 v29;
	[tilespmem:$0x830] =	vst v34  }
0x2f: {  	v41 =	vld [tilespmem:$0x230];
	[tilespmem:$0x840] =	vst v36;
	v40 =	vcvt.s32.f32 v31  }
0x30: {  	v43 =	vld [tilespmem:$0x240];
	[tilespmem:$0x850] =	vst v38;
	v42 =	vcvt.s32.f32 v33  }
0x31: {  	v45 =	vld [tilespmem:$0x250];
	v44 =	vcvt.s32.f32 v35;
	[tilespmem:$0x860] =	vst v40  }
0x32: {  	v47 =	vld [tilespmem:$0x260];
	v46 =	vcvt.s32.f32 v37;
	[tilespmem:$0x870] =	vst v42  }
0x33: {  	v49 =	vld [tilespmem:$0x270];
	v48 =	vcvt.s32.f32 v39;
	[tilespmem:$0x880] =	vst v44  }
0x34: {  	v51 =	vld [tilespmem:$0x280];
	[tilespmem:$0x890] =	vst v46;
	v50 =	vcvt.s32.f32 v41  }
0x35: {  	v53 =	vld [tilespmem:$0x290];
	[tilespmem:$0x8A0] =	vst v48;
	v52 =	vcvt.s32.f32 v43  }
0x36: {  	v55 =	vld [tilespmem:$0x2A0];
	v54 =	vcvt.s32.f32 v45;
	[tilespmem:$0x8B0] =	vst v50  }
0x37: {  	v57 =	vld [tilespmem:$0x2B0];
	v56 =	vcvt.s32.f32 v47;
	[tilespmem:$0x8C0] =	vst v52  }
0x38: {  	v59 =	vld [tilespmem:$0x2C0];
	v58 =	vcvt.s32.f32 v49;
	[tilespmem:$0x8D0] =	vst v54  }
0x39: {  	v61 =	vld [tilespmem:$0x2D0];
	v60 =	vcvt.s32.f32 v51;
	[tilespmem:$0x8E0] =	vst v56  }
0x3a: {  	v63 =	vld [tilespmem:$0x2E0];
	v62 =	vcvt.s32.f32 v53;
	[tilespmem:$0x8F0] =	vst v58  }
0x3b: {  	v9 =	vld [tilespmem:$0x2F0];
	v8 =	vcvt.s32.f32 v55;
	[tilespmem:$0x900] =	vst v60  }
0x3c: {  	v11 =	vld [tilespmem:$0x300];
	v10 =	vcvt.s32.f32 v57;
	[tilespmem:$0x910] =	vst v62  }
0x3d: {  	v13 =	vld [tilespmem:$0x310];
	v12 =	vcvt.s32.f32 v59;
	[tilespmem:$0x920] =	vst v8  }
0x3e: {  	v15 =	vld [tilespmem:$0x320];
	v14 =	vcvt.s32.f32 v61;
	[tilespmem:$0x930] =	vst v10  }
0x3f: {  	v17 =	vld [tilespmem:$0x330];
	v16 =	vcvt.s32.f32 v63;
	[tilespmem:$0x940] =	vst v12  }
0x40: {  	v19 =	vld [tilespmem:$0x340];
	v18 =	vcvt.s32.f32 v9;
	[tilespmem:$0x950] =	vst v14  }
0x41: {  	v21 =	vld [tilespmem:$0x350];
	v20 =	vcvt.s32.f32 v11;
	[tilespmem:$0x960] =	vst v16  }
0x42: {  	v23 =	vld [tilespmem:$0x360];
	v22 =	vcvt.s32.f32 v13;
	[tilespmem:$0x970] =	vst v18  }
0x43: {  	v25 =	vld [tilespmem:$0x370];
	v24 =	vcvt.s32.f32 v15;
	[tilespmem:$0x980] =	vst v20  }
0x44: {  	v27 =	vld [tilespmem:$0x380];
	v26 =	vcvt.s32.f32 v17;
	[tilespmem:$0x990] =	vst v22  }
0x45: {  	v29 =	vld [tilespmem:$0x390];
	v28 =	vcvt.s32.f32 v19;
	[tilespmem:$0x9A0] =	vst v24  }
0x46: {  	v31 =	vld [tilespmem:$0x3A0];
	v30 =	vcvt.s32.f32 v21;
	[tilespmem:$0x9B0] =	vst v26  }
0x47: {  	v33 =	vld [tilespmem:$0x3B0];
	v32 =	vcvt.s32.f32 v23;
	[tilespmem:$0x9C0] =	vst v28  }
0x48: {  	v35 =	vld [tilespmem:$0x3C0];
	v34 =	vcvt.s32.f32 v25;
	[tilespmem:$0x9D0] =	vst v30  }
0x49: {  	v37 =	vld [tilespmem:$0x3D0];
	v36 =	vcvt.s32.f32 v27;
	[tilespmem:$0x9E0] =	vst v32  }
0x4a: {  	v39 =	vld [tilespmem:$0x3E0];
	v38 =	vcvt.s32.f32 v29;
	[tilespmem:$0x9F0] =	vst v34  }
0x4b: {  	v41 =	vld [tilespmem:$0x3F0];
	[tilespmem:$0xA00] =	vst v36;
	v40 =	vcvt.s32.f32 v31  }
0x4c: {  	v43 =	vld [tilespmem:$0x400];
	[tilespmem:$0xA10] =	vst v38;
	v42 =	vcvt.s32.f32 v33  }
0x4d: {  	v45 =	vld [tilespmem:$0x410];
	v44 =	vcvt.s32.f32 v35;
	[tilespmem:$0xA20] =	vst v40  }
0x4e: {  	v47 =	vld [tilespmem:$0x420];
	v46 =	vcvt.s32.f32 v37;
	[tilespmem:$0xA30] =	vst v42  }
0x4f: {  	v49 =	vld [tilespmem:$0x430];
	v48 =	vcvt.s32.f32 v39;
	[tilespmem:$0xA40] =	vst v44  }
0x50: {  	v51 =	vld [tilespmem:$0x440];
	[tilespmem:$0xA50] =	vst v46;
	v50 =	vcvt.s32.f32 v41  }
0x51: {  	v53 =	vld [tilespmem:$0x450];
	[tilespmem:$0xA60] =	vst v48;
	v52 =	vcvt.s32.f32 v43  }
0x52: {  	v55 =	vld [tilespmem:$0x460];
	v54 =	vcvt.s32.f32 v45;
	[tilespmem:$0xA70] =	vst v50  }
0x53: {  	v57 =	vld [tilespmem:$0x470];
	v56 =	vcvt.s32.f32 v47;
	[tilespmem:$0xA80] =	vst v52  }
0x54: {  	v59 =	vld [tilespmem:$0x480];
	v58 =	vcvt.s32.f32 v49;
	[tilespmem:$0xA90] =	vst v54  }
0x55: {  	v61 =	vld [tilespmem:$0x490];
	v60 =	vcvt.s32.f32 v51;
	[tilespmem:$0xAA0] =	vst v56  }
0x56: {  	v63 =	vld [tilespmem:$0x4A0];
	v62 =	vcvt.s32.f32 v53;
	[tilespmem:$0xAB0] =	vst v58  }
0x57: {  	v10 =	vld [tilespmem:$0x4B0];
	v9 =	vcvt.s32.f32 v55;
	[tilespmem:$0xAC0] =	vst v60  }
0x58: {  	v12 =	vld [tilespmem:$0x4C0];
	v11 =	vcvt.s32.f32 v57;
	[tilespmem:$0xAD0] =	vst v62  }
0x59: {  	v14 =	vld [tilespmem:$0x4D0];
	v13 =	vcvt.s32.f32 v59;
	[tilespmem:$0xAE0] =	vst v9  }
0x5a: {  	v16 =	vld [tilespmem:$0x4E0];
	v15 =	vcvt.s32.f32 v61;
	[tilespmem:$0xAF0] =	vst v11  }
0x5b: {  	v18 =	vld [tilespmem:$0x4F0];
	v17 =	vcvt.s32.f32 v63;
	[tilespmem:$0xB00] =	vst v13  }
0x5c: {  	v20 =	vld [tilespmem:$0x500];
	[tilespmem:$0xB10] =	vst v15;
	v19 =	vcvt.s32.f32 v10  }
0x5d: {  	v22 =	vld [tilespmem:$0x510];
	[tilespmem:$0xB20] =	vst v17;
	v21 =	vcvt.s32.f32 v12  }
0x5e: {  	v24 =	vld [tilespmem:$0x520];
	v23 =	vcvt.s32.f32 v14;
	[tilespmem:$0xB30] =	vst v19  }
0x5f: {  	v26 =	vld [tilespmem:$0x530];
	v25 =	vcvt.s32.f32 v16;
	[tilespmem:$0xB40] =	vst v21  }
0x60: {  	v28 =	vld [tilespmem:$0x540];
	v27 =	vcvt.s32.f32 v18;
	[tilespmem:$0xB50] =	vst v23  }
0x61: {  	v30 =	vld [tilespmem:$0x550];
	v29 =	vcvt.s32.f32 v20;
	[tilespmem:$0xB60] =	vst v25  }
0x62: {  	v32 =	vld [tilespmem:$0x560];
	v31 =	vcvt.s32.f32 v22;
	[tilespmem:$0xB70] =	vst v27  }
0x63: {  	v34 =	vld [tilespmem:$0x570];
	v33 =	vcvt.s32.f32 v24;
	[tilespmem:$0xB80] =	vst v29  }
0x64: {  	v36 =	vld [tilespmem:$0x580];
	v35 =	vcvt.s32.f32 v26;
	[tilespmem:$0xB90] =	vst v31  }
0x65: {  	v38 =	vld [tilespmem:$0x590];
	v37 =	vcvt.s32.f32 v28;
	[tilespmem:$0xBA0] =	vst v33  }
0x66: {  	v40 =	vld [tilespmem:$0x5A0];
	v39 =	vcvt.s32.f32 v30;
	[tilespmem:$0xBB0] =	vst v35  }
0x67: {  	v42 =	vld [tilespmem:$0x5B0];
	v41 =	vcvt.s32.f32 v32;
	[tilespmem:$0xBC0] =	vst v37  }
0x68: {  	v44 =	vld [tilespmem:$0x5C0];
	v43 =	vcvt.s32.f32 v34;
	[tilespmem:$0xBD0] =	vst v39  }
0x69: {  	v46 =	vld [tilespmem:$0x5D0];
	v45 =	vcvt.s32.f32 v36;
	[tilespmem:$0xBE0] =	vst v41  }
0x6a: {  	v48 =	vld [tilespmem:$0x5E0];
	v47 =	vcvt.s32.f32 v38;
	[tilespmem:$0xBF0] =	vst v43  }
0x6b: {  	v50 =	vld [tilespmem:$0x5F0];
	[tilespmem:$0xC00] =	vst v45;
	v49 =	vcvt.s32.f32 v40  }
0x6c: {  	v52 =	vld [tilespmem:$0x600];
	[tilespmem:$0xC10] =	vst v47;
	v51 =	vcvt.s32.f32 v42  }
0x6d: {  	v54 =	vld [tilespmem:$0x610];
	v53 =	vcvt.s32.f32 v44;
	[tilespmem:$0xC20] =	vst v49  }
0x6e: {  	v56 =	vld [tilespmem:$0x620];
	v55 =	vcvt.s32.f32 v46;
	[tilespmem:$0xC30] =	vst v51  }
0x6f: {  	v58 =	vld [tilespmem:$0x630];
	v57 =	vcvt.s32.f32 v48;
	[tilespmem:$0xC40] =	vst v53  }
0x70: {  	[tilespmem:$0xC50] =	vst v55;
	v59 =	vcvt.s32.f32 v50  }
0x71: {  	[tilespmem:$0xC60] =	vst v57;
	v60 =	vcvt.s32.f32 v52  }
0x72: {  	v61 =	vcvt.s32.f32 v54;
	[tilespmem:$0xC70] =	vst v59  }
0x73: {  	v62 =	vcvt.s32.f32 v56;
	[tilespmem:$0xC80] =	vst v60  }
0x74: {  	v63 =	vcvt.s32.f32 v58;
	[tilespmem:$0xC90] =	vst v61  }
0x75: {  	p0 =	sne.s32 s5, $0x1;
	[tilespmem:$0xCA0] =	vst v62  }
.Ltmp0:
0x76: {  	[tilespmem:$0xCB0] =	vst v63;
	(pc) =	sbr.rel @p0 .LBB2_1-.Ltmp0, $4  }
0x77: {  	[hbm4b:s4+s2] =	stream.linear.scatter [tilespmem:s7], [sflag:$0x1], $0x640, $0x38;
	[tilespmem:$0xD00] =	vst v63  }
0x78: {  	_ =	swait.ge [sflag:s6], $0x640  }
0x79: {  	[sflag:s6] =	ssyncset.done $0x0  }
0x7a: {  	s5 =	sadd.s32 $0xFFFFFFFF, s5;
	[sflag:s6] =	ssyncadd.s32 $0xFFFFF9C0  }
0x7b: {  	_ =	sfence.sel $0x180000  }
0x7c: {  	[bflag:$0x0] =	sbarrier.arrive $0xFFFF  }
0x7d: {  	p0 =	sne.s32 s0, $0x0;
	_ =	strace $0x90000047  }
0x7e: {  	s0 =	sadd.s32 @!p0 $0x100000, s1;
	[bflag:$0x2] =	sbarrier.arrive $0xFFFF  }
0x7f: {  	[sflag:s0] =	ssyncadd.tile.s32 @!p0 $0x1;
	_ =	shalt  }
.Lfunc_end2:
_tile_overlayer_lowered:
.L_overlay_start_2:
0x80: {  	(tag) =	ssettag $0x2  }
0x81: {  	s0 =	rddreg [dreg:$0x0];
	s2 =	stileid.u32  }
0x82: {  	s1 =	rddreg [dreg:$0x1];
	p0 =	sne.s32 s2, $0x0  }
0x83: {  	s3 =	rddreg [dreg:$0x2];
	[bflag:$0x3] =	sbarrier.arrive $0xFFFF;
	s2 =	simm.s32 @!p0 $0x1C01  }
0x84: {  	[timem:s3], [sflag:s2] =	dma.local @!p0 [hbm:s0], s1  }
0x85: {  	s0 =	simm.s32 @!p0 $0x1  }
0x86: {  	_ =	swait.ge @!p0 [sflag:s0], s1  }
0x87: {  	s1 =	ssub.s32 @!p0 $0x0, s1;
	[sflag:s0] =	ssyncset.done @!p0 $0x0  }
0x88: {  	[sflag:s0] =	ssyncadd.s32 @!p0 s1  }
0x89: {  	[bflag:$0x3] =	sbarrier.arrive $0xFFFF  }
0x8a: {  	_ =	shalt  }

</sc_bundles>
